<compile_context>
chip_gen: v7x
topology: tpu7x:2x2x1
jax: 0.10.2.dev20260603
libtpu: 0.0.44.dev20260713+nightly
codegen_flags: <defaults>
</compile_context>

<pallas_src>
import functools

import jax
import jax.numpy as jnp
from jax import lax
from jax.experimental import pallas as pl
from jax.experimental.pallas import tpu as pltpu
from jax.experimental.pallas import tpu_sc as plsc

B, H, W = 2, 224, 224
K, D = 19, 1024
P = H * W
KT = K + 1
CP = 896
NCHUNK = P // CP
DBLK = 64
L = 16


def _cls_body(src_ref, colors_ref, out_ref):
    q = (src_ref[0] * 127.5 + 127.5).astype(jnp.int32)
    match = None
    for c in range(3):
        eq = q[c:c + 1, :] == colors_ref[:, c:c + 1]
        match = eq if match is None else (match & eq)
    kvec = lax.broadcasted_iota(jnp.int32, (K, P), 0)
    out_ref[0] = jnp.min(jnp.where(match, kvec, KT - 1), axis=0, keepdims=True)


def _compute_cls(src_flat, colors_i):
    return pl.pallas_call(
        _cls_body,
        grid=(B,),
        in_specs=[
            pl.BlockSpec((1, 3, P), lambda b: (b, 0, 0)),
            pl.BlockSpec((K, 3), lambda b: (0, 0)),
        ],
        out_specs=pl.BlockSpec((1, 1, P), lambda b: (b, 0, 0)),
        out_shape=jax.ShapeDtypeStruct((B, 1, P), jnp.int32),
    )(src_flat, colors_i)


_mesh = plsc.VectorSubcoreMesh(core_axis_name="c", subcore_axis_name="s")


@functools.partial(
    pl.kernel, mesh=_mesh,
    out_type=jax.ShapeDtypeStruct((B, D, H, W), jnp.float32),
    compiler_params=pltpu.CompilerParams(needs_layout_passes=False),
    scratch_types=[
        pltpu.VMEM((DBLK * KT,), jnp.float32),
        pltpu.VMEM((CP,), jnp.int32),
        pltpu.VMEM((DBLK, CP // W, W), jnp.float32),
    ],
)
def _sc_fill(cls_hbm, tab_hbm, out_hbm, tab_v, cls_v, buf_v):
    nc = 2
    wid = lax.axis_index("s") * nc + lax.axis_index("c")
    b = wid // 16
    dbase = (wid % 16) * DBLK
    pltpu.sync_copy(tab_hbm.at[pl.ds(dbase * KT, DBLK * KT)], tab_v)

    def chunk_body(t, carry):
        pltpu.sync_copy(cls_hbm.at[b, pl.ds(t * CP, CP)], cls_v)

        def ivec(i, c2):
            idx = cls_v[pl.ds(i * L, L)]
            r = i // (W // L)
            col = (i % (W // L)) * L
            for j in range(DBLK):
                off = idx + (j * KT)
                buf_v[j, r, pl.ds(col, L)] = plsc.load_gather(tab_v, [off])
            return c2
        lax.fori_loop(0, CP // L, ivec, 0, unroll=False)
        pltpu.sync_copy(
            buf_v,
            out_hbm.at[b, pl.ds(dbase, DBLK), pl.ds(t * (CP // W), CP // W), :])
        return carry

    lax.fori_loop(0, NCHUNK, chunk_body, 0, unroll=False)


def kernel(src, colors, feats):
    src_flat = src.reshape(B, 3, P)
    colors_i = colors.astype(jnp.int32)
    tab = jnp.zeros((D, KT), jnp.float32).at[:, :K].set(feats.T).reshape(D * KT)
    cls = _compute_cls(src_flat, colors_i).reshape(B, P)
    return _sc_fill(cls, tab)

# --- scband reference (transcript-rebuilt; emitter-appended) ---
"""Pipeline reference for scband-cssrc-mapper-23837068493036 (READ-ONLY COPY).

The authoritative reference and input builder live on the scoring server;
editing this copy changes nothing except your own understanding.
"""

import jax, jax.numpy as jnp
import numpy as np

B, H, W = 2, 224, 224
K, D = 19, 1024

def setup_inputs(seed: int = 0) -> dict:
    key = jax.random.key(seed)
    k1, k2, k3 = jax.random.split(key, 3)
    # 19 Cityscapes-style palette colors (random, distinct w.h.p.) and RN50 class feats
    colors = jax.random.randint(k1, (K, 3), 0, 256).astype(jnp.int64)
    feats = jax.random.normal(k2, (K, D), dtype=jnp.float32)
    # Build src as a normalized color-coded segmentation map so the class-color
    # equality test in forward actually fires (mirrors real Cityscapes inputs).
    labels = jax.random.randint(k3, (B, H, W), 0, K)
    col_map = jnp.take(colors, labels, axis=0).astype(jnp.float32)  # [B,H,W,3]
    # +0.4 nudge so truncation via .astype(int) round-trips robustly to the color
    src = ((col_map + 0.4) - 127.5) / 127.5
    src = jnp.transpose(src, (0, 3, 1, 2)).astype(jnp.float32)  # [B,3,H,W]
    return {"src": src, "colors": colors, "feats": feats}

def reference(src, colors, feats):
    # q = (src * 127.5 + 127.5).long()
    q = (src * 127.5 + 127.5).astype(jnp.int64)  # [B,3,H,W]
    # per-class color match over channel dim -> [B,K,H,W]
    match = (q[:, None, :, :, :] == colors[None, :, :, None, None]).all(axis=2)
    any_match = match.any(axis=1)            # [B,H,W]
    cls_idx = jnp.argmax(match, axis=1)      # [B,H,W] (colors are unique -> at most one match)
    feat_map = jnp.take(feats, cls_idx, axis=0)          # gather: [B,H,W,D]
    feat_map = jnp.transpose(feat_map, (0, 3, 1, 2))     # [B,D,H,W]
    # masked overwrite into zero-initialized src_feat (scatter-overwrite semantics)
    src_feat = jnp.where(any_match[:, None, :, :], feat_map.astype(src.dtype), jnp.zeros((), src.dtype))
    return src_feat

if __name__ == "__main__":
    import jax
    _d = setup_inputs()
    print(jax.jit(kernel)(*tuple(_d.values())))

</pallas_src>

<mosaic_0001>
#map = affine_map<(d0, d1) -> (0, 0)>
#map1 = affine_map<(d0, d1) -> (0)>
#map2 = affine_map<(d0, d1) -> (0, 0, 0, 0)>
module attributes {stable_mosaic.version = 14 : i64} {
  func.func @_sc_fill(%arg0: i32, %arg1: i32, %arg2: memref<2x50176xi32, #tpu.memory_space<hbm>>, %arg3: memref<20480xf32, #tpu.memory_space<hbm>>, %arg4: memref<2x1024x224x224xf32, #tpu.memory_space<hbm>>, %arg5: memref<1280xf32, #tpu.memory_space<vmem>>, %arg6: memref<896xi32, #tpu.memory_space<vmem>>, %arg7: memref<64x4x224xf32, #tpu.memory_space<vmem>>) attributes {dimension_semantics = [#tpu.dimension_semantics<core_parallel>, #tpu.dimension_semantics<subcore_parallel>], iteration_bounds = array<i64: 2, 16>, scalar_prefetch = 0 : i64, scratch_operands = 3 : i64, tpu.core_type = #tpu.core_type<sc_vector_subcore>, window_params = [{transform_indices = #map}, {transform_indices = #map1}, {transform_indices = #map2}]} {
    %mul3A = arith.constant 2 : i32
    %mul3A_0 = arith.muli %arg1, %mul3A : i32
    %add3A = arith.addi %mul3A_0, %arg0 : i32
    %jit3A = arith.constant 16 : i32
    %div3A = arith.divsi %add3A, %jit3A : i32
    %sign3A = arith.constant 0 : i32
    %sign3A_1 = arith.cmpi sgt, %add3A, %sign3A : i32
    %sign3A_2 = arith.extui %sign3A_1 : i1 to i32
    %sign3A_3 = arith.constant 0 : i32
    %sign3A_4 = arith.cmpi slt, %add3A, %sign3A_3 : i32
    %sign3A_5 = arith.extui %sign3A_4 : i1 to i32
    %sign3A_6 = arith.subi %sign3A_2, %sign3A_5 : i32
    %sign3A_7 = arith.constant 0 : i32
    %sign3A_8 = arith.cmpi sgt, %jit3A, %sign3A_7 : i32
    %sign3A_9 = arith.extui %sign3A_8 : i1 to i32
    %sign3A_10 = arith.constant 0 : i32
    %sign3A_11 = arith.cmpi slt, %jit3A, %sign3A_10 : i32
    %sign3A_12 = arith.extui %sign3A_11 : i1 to i32
    %sign3A_13 = arith.subi %sign3A_9, %sign3A_12 : i32
    %ne3A = arith.cmpi ne, %sign3A_6, %sign3A_13 : i32
    %rem3A = arith.remsi %add3A, %jit3A : i32
    %ne3A_14 = arith.constant 0 : i32
    %ne3A_15 = arith.cmpi ne, %rem3A, %ne3A_14 : i32
    %and3A = arith.andi %ne3A, %ne3A_15 : i1
    %sub3A = arith.constant 1 : i32
    %sub3A_16 = arith.subi %div3A, %sub3A : i32
    %select_n3A = arith.select %and3A, %sub3A_16, %div3A : i32
    %jit3A_17 = arith.constant 16 : i32
    %eq3A = arith.constant 0 : i32
    %eq3A_18 = arith.cmpi eq, %jit3A_17, %eq3A : i32
    %jit3A_19 = arith.constant 1 : i32
    %select_n3A_20 = arith.select %eq3A_18, %jit3A_19, %jit3A_17 : i32
    %rem3A_21 = arith.remsi %add3A, %select_n3A_20 : i32
    %ne3A_22 = arith.constant 0 : i32
    %ne3A_23 = arith.cmpi ne, %rem3A_21, %ne3A_22 : i32
    %lt3A = arith.constant 0 : i32
    %lt3A_24 = arith.cmpi slt, %rem3A_21, %lt3A : i32
    %lt3A_25 = arith.constant 0 : i32
    %lt3A_26 = arith.cmpi slt, %select_n3A_20, %lt3A_25 : i32
    %ne3A_27 = arith.xori %lt3A_24, %lt3A_26 : i1
    %and3A_28 = arith.andi %ne3A_27, %ne3A_23 : i1
    %add3A_29 = arith.addi %rem3A_21, %select_n3A_20 : i32
    %select_n3A_30 = arith.select %and3A_28, %add3A_29, %rem3A_21 : i32
    %mul3A_31 = arith.constant 64 : i32
    %mul3A_32 = arith.muli %select_n3A_30, %mul3A_31 : i32
    %mul3A_33 = arith.constant 20 : i32
    %mul3A_34 = arith.muli %mul3A_32, %mul3A_33 : i32
    "tpu.region"() ({
      %run_scoped3A = tpu.sem_alloc : memref<!tpu.dma_semaphore, #tpu.memory_space<semaphore_mem>>
      %dma_start3A = tpu.memref_slice %arg3[%mul3A_34] : memref<20480xf32, #tpu.memory_space<hbm>> -> memref<1280xf32, #tpu.memory_space<hbm>>
      %dma_start3A_40 = tpu.memref_slice %arg3[%mul3A_34] : memref<20480xf32, #tpu.memory_space<hbm>> -> memref<1280xf32, #tpu.memory_space<hbm>>
      tpu.enqueue_dma source(%dma_start3A_40 : memref<1280xf32, #tpu.memory_space<hbm>>) target(%arg5 : memref<1280xf32, #tpu.memory_space<vmem>>) target_semaphore(%run_scoped3A : memref<!tpu.dma_semaphore, #tpu.memory_space<semaphore_mem>>)
      %dma_wait3A = tpu.memref_slice %arg3[%mul3A_34] : memref<20480xf32, #tpu.memory_space<hbm>> -> memref<1280xf32, #tpu.memory_space<hbm>>
      %dma_wait3A_41 = tpu.memref_slice %arg3[%mul3A_34] : memref<20480xf32, #tpu.memory_space<hbm>> -> memref<1280xf32, #tpu.memory_space<hbm>>
      tpu.wait_dma2 semaphore(%run_scoped3A : memref<!tpu.dma_semaphore, #tpu.memory_space<semaphore_mem>>) src(%dma_wait3A_41 : memref<1280xf32, #tpu.memory_space<hbm>>) dst(%arg5 : memref<1280xf32, #tpu.memory_space<vmem>>)
      tpu.yield
    }) : () -> ()
    %scan3A = arith.constant 0 : i32
    %scan3A_35 = arith.constant 0 : i32
    %scan3A_36 = arith.constant 56 : i32
    %scan3A_37 = arith.addi %scan3A_35, %scan3A_36 : i32
    %scan3A_38 = arith.constant 1 : i32
    scf.for %scan3A_40 = %scan3A_35 to %scan3A_37 step %scan3A_38  : i32 {
      %mul3A_41 = arith.constant 896 : i32
      %mul3A_42 = arith.muli %scan3A_40, %mul3A_41 : i32
      "tpu.region"() ({
        %run_scoped3A = tpu.sem_alloc : memref<!tpu.dma_semaphore, #tpu.memory_space<semaphore_mem>>
        %dma_start3A = tpu.memref_slice %arg2[%select_n3A, %mul3A_42] : memref<2x50176xi32, #tpu.memory_space<hbm>> -> memref<1x896xi32, #tpu.memory_space<hbm>>
        %dma_start3A_51 = tpu.memref_squeeze %dma_start3A : memref<1x896xi32, #tpu.memory_space<hbm>> -> memref<896xi32, #tpu.memory_space<hbm>>
        %dma_start3A_52 = tpu.memref_slice %arg2[%select_n3A, %mul3A_42] : memref<2x50176xi32, #tpu.memory_space<hbm>> -> memref<1x896xi32, #tpu.memory_space<hbm>>
        %dma_start3A_53 = tpu.memref_squeeze %dma_start3A_52 : memref<1x896xi32, #tpu.memory_space<hbm>> -> memref<896xi32, #tpu.memory_space<hbm>>
        tpu.enqueue_dma source(%dma_start3A_53 : memref<896xi32, #tpu.memory_space<hbm>>) target(%arg6 : memref<896xi32, #tpu.memory_space<vmem>>) target_semaphore(%run_scoped3A : memref<!tpu.dma_semaphore, #tpu.memory_space<semaphore_mem>>)
        %dma_wait3A = tpu.memref_slice %arg2[%select_n3A, %mul3A_42] : memref<2x50176xi32, #tpu.memory_space<hbm>> -> memref<1x896xi32, #tpu.memory_space<hbm>>
        %dma_wait3A_54 = tpu.memref_squeeze %dma_wait3A : memref<1x896xi32, #tpu.memory_space<hbm>> -> memref<896xi32, #tpu.memory_space<hbm>>
        %dma_wait3A_55 = tpu.memref_slice %arg2[%select_n3A, %mul3A_42] : memref<2x50176xi32, #tpu.memory_space<hbm>> -> memref<1x896xi32, #tpu.memory_space<hbm>>
        %dma_wait3A_56 = tpu.memref_squeeze %dma_wait3A_55 : memref<1x896xi32, #tpu.memory_space<hbm>> -> memref<896xi32, #tpu.memory_space<hbm>>
        tpu.wait_dma2 semaphore(%run_scoped3A : memref<!tpu.dma_semaphore, #tpu.memory_space<semaphore_mem>>) src(%dma_wait3A_56 : memref<896xi32, #tpu.memory_space<hbm>>) dst(%arg6 : memref<896xi32, #tpu.memory_space<vmem>>)
        tpu.yield
      }) : () -> ()
      %scan3A_43 = arith.constant 0 : i32
      %scan3A_44 = arith.constant 0 : i32
      %scan3A_45 = arith.constant 56 : i32
      %scan3A_46 = arith.addi %scan3A_44, %scan3A_45 : i32
      %scan3A_47 = arith.constant 1 : i32
      scf.for %scan3A_51 = %scan3A_44 to %scan3A_46 step %scan3A_47  : i32 {
        %mul3A_52 = arith.constant 16 : i32
        %mul3A_53 = arith.muli %scan3A_51, %mul3A_52 : i32
        %get3A = arith.index_cast %mul3A_53 : i32 to index
        %get3A_54 = tpu.vector_load %arg6[%get3A] {strides = array<i32>} : memref<896xi32, #tpu.memory_space<vmem>>, vector<16xi32>,
        %jit3A_55 = arith.constant 14 : i32
        %div3A_56 = arith.divsi %scan3A_51, %jit3A_55 : i32
        %sign3A_57 = arith.constant 0 : i32
        %sign3A_58 = arith.cmpi sgt, %scan3A_51, %sign3A_57 : i32
        %sign3A_59 = arith.extui %sign3A_58 : i1 to i32
        %sign3A_60 = arith.constant 0 : i32
        %sign3A_61 = arith.cmpi slt, %scan3A_51, %sign3A_60 : i32
        %sign3A_62 = arith.extui %sign3A_61 : i1 to i32
        %sign3A_63 = arith.subi %sign3A_59, %sign3A_62 : i32
        %sign3A_64 = arith.constant 0 : i32
        %sign3A_65 = arith.cmpi sgt, %jit3A_55, %sign3A_64 : i32
        %sign3A_66 = arith.extui %sign3A_65 : i1 to i32
        %sign3A_67 = arith.constant 0 : i32
        %sign3A_68 = arith.cmpi slt, %jit3A_55, %sign3A_67 : i32
        %sign3A_69 = arith.extui %sign3A_68 : i1 to i32
        %sign3A_70 = arith.subi %sign3A_66, %sign3A_69 : i32
        %ne3A_71 = arith.cmpi ne, %sign3A_63, %sign3A_70 : i32
        %rem3A_72 = arith.remsi %scan3A_51, %jit3A_55 : i32
        %ne3A_73 = arith.constant 0 : i32
        %ne3A_74 = arith.cmpi ne, %rem3A_72, %ne3A_73 : i32
        %and3A_75 = arith.andi %ne3A_71, %ne3A_74 : i1
        %sub3A_76 = arith.constant 1 : i32
        %sub3A_77 = arith.subi %div3A_56, %sub3A_76 : i32
        %select_n3A_78 = arith.select %and3A_75, %sub3A_77, %div3A_56 : i32
        %jit3A_79 = arith.constant 14 : i32
        %eq3A_80 = arith.constant 0 : i32
        %eq3A_81 = arith.cmpi eq, %jit3A_79, %eq3A_80 : i32
        %jit3A_82 = arith.constant 1 : i32
        %select_n3A_83 = arith.select %eq3A_81, %jit3A_82, %jit3A_79 : i32
        %rem3A_84 = arith.remsi %scan3A_51, %select_n3A_83 : i32
        %ne3A_85 = arith.constant 0 : i32
        %ne3A_86 = arith.cmpi ne, %rem3A_84, %ne3A_85 : i32
        %lt3A_87 = arith.constant 0 : i32
        %lt3A_88 = arith.cmpi slt, %rem3A_84, %lt3A_87 : i32
        %lt3A_89 = arith.constant 0 : i32
        %lt3A_90 = arith.cmpi slt, %select_n3A_83, %lt3A_89 : i32
        %ne3A_91 = arith.xori %lt3A_88, %lt3A_90 : i1
        %and3A_92 = arith.andi %ne3A_91, %ne3A_86 : i1
        %add3A_93 = arith.addi %rem3A_84, %select_n3A_83 : i32
        %select_n3A_94 = arith.select %and3A_92, %add3A_93, %rem3A_84 : i32
        %mul3A_95 = arith.constant 16 : i32
        %mul3A_96 = arith.muli %select_n3A_94, %mul3A_95 : i32
        %add3A_97 = arith.constant 0 : i32
        %add3A_98 = vector.broadcast %add3A_97 : i32 to vector<16xi32>
        %add3A_99 = arith.addi %get3A_54, %add3A_98 : vector<16xi32>
        %gather3A = tpu.vector_load_idx %arg5[%add3A_99] : memref<1280xf32, #tpu.memory_space<vmem>>[vector<16xi32>], vector<16xf32>,
        %swap3A = arith.constant 0 : i32
        %swap3A_100 = arith.index_cast %swap3A : i32 to index
        %swap3A_101 = arith.index_cast %select_n3A_78 : i32 to index
        %swap3A_102 = arith.index_cast %mul3A_96 : i32 to index
        %swap3A_103 = tpu.vector_load %arg7[%swap3A_100, %swap3A_101, %swap3A_102] {strides = array<i32>} : memref<64x4x224xf32, #tpu.memory_space<vmem>>, vector<16xf32>,
        tpu.vector_store %arg7[%swap3A_100, %swap3A_101, %swap3A_102], %gather3A {strides = array<i32>} : memref<64x4x224xf32, #tpu.memory_space<vmem>>, vector<16xf32>,
        %add3A_104 = arith.constant 20 : i32
        %add3A_105 = vector.broadcast %add3A_104 : i32 to vector<16xi32>
        %add3A_106 = arith.addi %get3A_54, %add3A_105 : vector<16xi32>
        %gather3A_107 = tpu.vector_load_idx %arg5[%add3A_106] : memref<1280xf32, #tpu.memory_space<vmem>>[vector<16xi32>], vector<16xf32>,
        %swap3A_108 = arith.constant 1 : i32
        %swap3A_109 = arith.index_cast %swap3A_108 : i32 to index
        %swap3A_110 = arith.index_cast %select_n3A_78 : i32 to index
        %swap3A_111 = arith.index_cast %mul3A_96 : i32 to index
        %swap3A_112 = tpu.vector_load %arg7[%swap3A_109, %swap3A_110, %swap3A_111] {strides = array<i32>} : memref<64x4x224xf32, #tpu.memory_space<vmem>>, vector<16xf32>,
        tpu.vector_store %arg7[%swap3A_109, %swap3A_110, %swap3A_111], %gather3A_107 {strides = array<i32>} : memref<64x4x224xf32, #tpu.memory_space<vmem>>, vector<16xf32>,
        %add3A_113 = arith.constant 40 : i32
        %add3A_114 = vector.broadcast %add3A_113 : i32 to vector<16xi32>
        %add3A_115 = arith.addi %get3A_54, %add3A_114 : vector<16xi32>
        %gather3A_116 = tpu.vector_load_idx %arg5[%add3A_115] : memref<1280xf32, #tpu.memory_space<vmem>>[vector<16xi32>], vector<16xf32>,
        %swap3A_117 = arith.constant 2 : i32
        %swap3A_118 = arith.index_cast %swap3A_117 : i32 to index
        %swap3A_119 = arith.index_cast %select_n3A_78 : i32 to index
        %swap3A_120 = arith.index_cast %mul3A_96 : i32 to index
        %swap3A_121 = tpu.vector_load %arg7[%swap3A_118, %swap3A_119, %swap3A_120] {strides = array<i32>} : memref<64x4x224xf32, #tpu.memory_space<vmem>>, vector<16xf32>,
        tpu.vector_store %arg7[%swap3A_118, %swap3A_119, %swap3A_120], %gather3A_116 {strides = array<i32>} : memref<64x4x224xf32, #tpu.memory_space<vmem>>, vector<16xf32>,
        %add3A_122 = arith.constant 60 : i32
        %add3A_123 = vector.broadcast %add3A_122 : i32 to vector<16xi32>
        %add3A_124 = arith.addi %get3A_54, %add3A_123 : vector<16xi32>
        %gather3A_125 = tpu.vector_load_idx %arg5[%add3A_124] : memref<1280xf32, #tpu.memory_space<vmem>>[vector<16xi32>], vector<16xf32>,
        %swap3A_126 = arith.constant 3 : i32
        %swap3A_127 = arith.index_cast %swap3A_126 : i32 to index
        %swap3A_128 = arith.index_cast %select_n3A_78 : i32 to index
        %swap3A_129 = arith.index_cast %mul3A_96 : i32 to index
        %swap3A_130 = tpu.vector_load %arg7[%swap3A_127, %swap3A_128, %swap3A_129] {strides = array<i32>} : memref<64x4x224xf32, #tpu.memory_space<vmem>>, vector<16xf32>,
        tpu.vector_store %arg7[%swap3A_127, %swap3A_128, %swap3A_129], %gather3A_125 {strides = array<i32>} : memref<64x4x224xf32, #tpu.memory_space<vmem>>, vector<16xf32>,
        %add3A_131 = arith.constant 80 : i32
        %add3A_132 = vector.broadcast %add3A_131 : i32 to vector<16xi32>
        %add3A_133 = arith.addi %get3A_54, %add3A_132 : vector<16xi32>
        %gather3A_134 = tpu.vector_load_idx %arg5[%add3A_133] : memref<1280xf32, #tpu.memory_space<vmem>>[vector<16xi32>], vector<16xf32>,
        %swap3A_135 = arith.constant 4 : i32
        %swap3A_136 = arith.index_cast %swap3A_135 : i32 to index
        %swap3A_137 = arith.index_cast %select_n3A_78 : i32 to index
        %swap3A_138 = arith.index_cast %mul3A_96 : i32 to index
        %swap3A_139 = tpu.vector_load %arg7[%swap3A_136, %swap3A_137, %swap3A_138] {strides = array<i32>} : memref<64x4x224xf32, #tpu.memory_space<vmem>>, vector<16xf32>,
        tpu.vector_store %arg7[%swap3A_136, %swap3A_137, %swap3A_138], %gather3A_134 {strides = array<i32>} : memref<64x4x224xf32, #tpu.memory_space<vmem>>, vector<16xf32>,
        %add3A_140 = arith.constant 100 : i32
        %add3A_141 = vector.broadcast %add3A_140 : i32 to vector<16xi32>
        %add3A_142 = arith.addi %get3A_54, %add3A_141 : vector<16xi32>
        %gather3A_143 = tpu.vector_load_idx %arg5[%add3A_142] : memref<1280xf32, #tpu.memory_space<vmem>>[vector<16xi32>], vector<16xf32>,
        %swap3A_144 = arith.constant 5 : i32
        %swap3A_145 = arith.index_cast %swap3A_144 : i32 to index
        %swap3A_146 = arith.index_cast %select_n3A_78 : i32 to index
        %swap3A_147 = arith.index_cast %mul3A_96 : i32 to index
        %swap3A_148 = tpu.vector_load %arg7[%swap3A_145, %swap3A_146, %swap3A_147] {strides = array<i32>} : memref<64x4x224xf32, #tpu.memory_space<vmem>>, vector<16xf32>,
        tpu.vector_store %arg7[%swap3A_145, %swap3A_146, %swap3A_147], %gather3A_143 {strides = array<i32>} : memref<64x4x224xf32, #tpu.memory_space<vmem>>, vector<16xf32>,
        %add3A_149 = arith.constant 120 : i32
        %add3A_150 = vector.broadcast %add3A_149 : i32 to vector<16xi32>
        %add3A_151 = arith.addi %get3A_54, %add3A_150 : vector<16xi32>
        %gather3A_152 = tpu.vector_load_idx %arg5[%add3A_151] : memref<1280xf32, #tpu.memory_space<vmem>>[vector<16xi32>], vector<16xf32>,
        %swap3A_153 = arith.constant 6 : i32
        %swap3A_154 = arith.index_cast %swap3A_153 : i32 to index
        %swap3A_155 = arith.index_cast %select_n3A_78 : i32 to index
        %swap3A_156 = arith.index_cast %mul3A_96 : i32 to index
        %swap3A_157 = tpu.vector_load %arg7[%swap3A_154, %swap3A_155, %swap3A_156] {strides = array<i32>} : memref<64x4x224xf32, #tpu.memory_space<vmem>>, vector<16xf32>,
        tpu.vector_store %arg7[%swap3A_154, %swap3A_155, %swap3A_156], %gather3A_152 {strides = array<i32>} : memref<64x4x224xf32, #tpu.memory_space<vmem>>, vector<16xf32>,
        %add3A_158 = arith.constant 140 : i32
        %add3A_159 = vector.broadcast %add3A_158 : i32 to vector<16xi32>
        %add3A_160 = arith.addi %get3A_54, %add3A_159 : vector<16xi32>
        %gather3A_161 = tpu.vector_load_idx %arg5[%add3A_160] : memref<1280xf32, #tpu.memory_space<vmem>>[vector<16xi32>], vector<16xf32>,
        %swap3A_162 = arith.constant 7 : i32
        %swap3A_163 = arith.index_cast %swap3A_162 : i32 to index
        %swap3A_164 = arith.index_cast %select_n3A_78 : i32 to index
        %swap3A_165 = arith.index_cast %mul3A_96 : i32 to index
        %swap3A_166 = tpu.vector_load %arg7[%swap3A_163, %swap3A_164, %swap3A_165] {strides = array<i32>} : memref<64x4x224xf32, #tpu.memory_space<vmem>>, vector<16xf32>,
        tpu.vector_store %arg7[%swap3A_163, %swap3A_164, %swap3A_165], %gather3A_161 {strides = array<i32>} : memref<64x4x224xf32, #tpu.memory_space<vmem>>, vector<16xf32>,
        %add3A_167 = arith.constant 160 : i32
        %add3A_168 = vector.broadcast %add3A_167 : i32 to vector<16xi32>
        %add3A_169 = arith.addi %get3A_54, %add3A_168 : vector<16xi32>
        %gather3A_170 = tpu.vector_load_idx %arg5[%add3A_169] : memref<1280xf32, #tpu.memory_space<vmem>>[vector<16xi32>], vector<16xf32>,
        %swap3A_171 = arith.constant 8 : i32
        %swap3A_172 = arith.index_cast %swap3A_171 : i32 to index
        %swap3A_173 = arith.index_cast %select_n3A_78 : i32 to index
        %swap3A_174 = arith.index_cast %mul3A_96 : i32 to index
        %swap3A_175 = tpu.vector_load %arg7[%swap3A_172, %swap3A_173, %swap3A_174] {strides = array<i32>} : memref<64x4x224xf32, #tpu.memory_space<vmem>>, vector<16xf32>,
        tpu.vector_store %arg7[%swap3A_172, %swap3A_173, %swap3A_174], %gather3A_170 {strides = array<i32>} : memref<64x4x224xf32, #tpu.memory_space<vmem>>, vector<16xf32>,
        %add3A_176 = arith.constant 180 : i32
        %add3A_177 = vector.broadcast %add3A_176 : i32 to vector<16xi32>
        %add3A_178 = arith.addi %get3A_54, %add3A_177 : vector<16xi32>
        %gather3A_179 = tpu.vector_load_idx %arg5[%add3A_178] : memref<1280xf32, #tpu.memory_space<vmem>>[vector<16xi32>], vector<16xf32>,
        %swap3A_180 = arith.constant 9 : i32
        %swap3A_181 = arith.index_cast %swap3A_180 : i32 to index
        %swap3A_182 = arith.index_cast %select_n3A_78 : i32 to index
        %swap3A_183 = arith.index_cast %mul3A_96 : i32 to index
        %swap3A_184 = tpu.vector_load %arg7[%swap3A_181, %swap3A_182, %swap3A_183] {strides = array<i32>} : memref<64x4x224xf32, #tpu.memory_space<vmem>>, vector<16xf32>,
        tpu.vector_store %arg7[%swap3A_181, %swap3A_182, %swap3A_183], %gather3A_179 {strides = array<i32>} : memref<64x4x224xf32, #tpu.memory_space<vmem>>, vector<16xf32>,
        %add3A_185 = arith.constant 200 : i32
        %add3A_186 = vector.broadcast %add3A_185 : i32 to vector<16xi32>
        %add3A_187 = arith.addi %get3A_54, %add3A_186 : vector<16xi32>
        %gather3A_188 = tpu.vector_load_idx %arg5[%add3A_187] : memref<1280xf32, #tpu.memory_space<vmem>>[vector<16xi32>], vector<16xf32>,
        %swap3A_189 = arith.constant 10 : i32
        %swap3A_190 = arith.index_cast %swap3A_189 : i32 to index
        %swap3A_191 = arith.index_cast %select_n3A_78 : i32 to index
        %swap3A_192 = arith.index_cast %mul3A_96 : i32 to index
        %swap3A_193 = tpu.vector_load %arg7[%swap3A_190, %swap3A_191, %swap3A_192] {strides = array<i32>} : memref<64x4x224xf32, #tpu.memory_space<vmem>>, vector<16xf32>,
        tpu.vector_store %arg7[%swap3A_190, %swap3A_191, %swap3A_192], %gather3A_188 {strides = array<i32>} : memref<64x4x224xf32, #tpu.memory_space<vmem>>, vector<16xf32>,
        %add3A_194 = arith.constant 220 : i32
        %add3A_195 = vector.broadcast %add3A_194 : i32 to vector<16xi32>
        %add3A_196 = arith.addi %get3A_54, %add3A_195 : vector<16xi32>
        %gather3A_197 = tpu.vector_load_idx %arg5[%add3A_196] : memref<1280xf32, #tpu.memory_space<vmem>>[vector<16xi32>], vector<16xf32>,
        %swap3A_198 = arith.constant 11 : i32
        %swap3A_199 = arith.index_cast %swap3A_198 : i32 to index
        %swap3A_200 = arith.index_cast %select_n3A_78 : i32 to index
        %swap3A_201 = arith.index_cast %mul3A_96 : i32 to index
        %swap3A_202 = tpu.vector_load %arg7[%swap3A_199, %swap3A_200, %swap3A_201] {strides = array<i32>} : memref<64x4x224xf32, #tpu.memory_space<vmem>>, vector<16xf32>,
        tpu.vector_store %arg7[%swap3A_199, %swap3A_200, %swap3A_201], %gather3A_197 {strides = array<i32>} : memref<64x4x224xf32, #tpu.memory_space<vmem>>, vector<16xf32>,
        %add3A_203 = arith.constant 240 : i32
        %add3A_204 = vector.broadcast %add3A_203 : i32 to vector<16xi32>
        %add3A_205 = arith.addi %get3A_54, %add3A_204 : vector<16xi32>
        %gather3A_206 = tpu.vector_load_idx %arg5[%add3A_205] : memref<1280xf32, #tpu.memory_space<vmem>>[vector<16xi32>], vector<16xf32>,
        %swap3A_207 = arith.constant 12 : i32
        %swap3A_208 = arith.index_cast %swap3A_207 : i32 to index
        %swap3A_209 = arith.index_cast %select_n3A_78 : i32 to index
        %swap3A_210 = arith.index_cast %mul3A_96 : i32 to index
        %swap3A_211 = tpu.vector_load %arg7[%swap3A_208, %swap3A_209, %swap3A_210] {strides = array<i32>} : memref<64x4x224xf32, #tpu.memory_space<vmem>>, vector<16xf32>,
        tpu.vector_store %arg7[%swap3A_208, %swap3A_209, %swap3A_210], %gather3A_206 {strides = array<i32>} : memref<64x4x224xf32, #tpu.memory_space<vmem>>, vector<16xf32>,
        %add3A_212 = arith.constant 260 : i32
        %add3A_213 = vector.broadcast %add3A_212 : i32 to vector<16xi32>
        %add3A_214 = arith.addi %get3A_54, %add3A_213 : vector<16xi32>
        %gather3A_215 = tpu.vector_load_idx %arg5[%add3A_214] : memref<1280xf32, #tpu.memory_space<vmem>>[vector<16xi32>], vector<16xf32>,
        %swap3A_216 = arith.constant 13 : i32
        %swap3A_217 = arith.index_cast %swap3A_216 : i32 to index
        %swap3A_218 = arith.index_cast %select_n3A_78 : i32 to index
        %swap3A_219 = arith.index_cast %mul3A_96 : i32 to index
        %swap3A_220 = tpu.vector_load %arg7[%swap3A_217, %swap3A_218, %swap3A_219] {strides = array<i32>} : memref<64x4x224xf32, #tpu.memory_space<vmem>>, vector<16xf32>,
        tpu.vector_store %arg7[%swap3A_217, %swap3A_218, %swap3A_219], %gather3A_215 {strides = array<i32>} : memref<64x4x224xf32, #tpu.memory_space<vmem>>, vector<16xf32>,
        %add3A_221 = arith.constant 280 : i32
        %add3A_222 = vector.broadcast %add3A_221 : i32 to vector<16xi32>
        %add3A_223 = arith.addi %get3A_54, %add3A_222 : vector<16xi32>
        %gather3A_224 = tpu.vector_load_idx %arg5[%add3A_223] : memref<1280xf32, #tpu.memory_space<vmem>>[vector<16xi32>], vector<16xf32>,
        %swap3A_225 = arith.constant 14 : i32
        %swap3A_226 = arith.index_cast %swap3A_225 : i32 to index
        %swap3A_227 = arith.index_cast %select_n3A_78 : i32 to index
        %swap3A_228 = arith.index_cast %mul3A_96 : i32 to index
        %swap3A_229 = tpu.vector_load %arg7[%swap3A_226, %swap3A_227, %swap3A_228] {strides = array<i32>} : memref<64x4x224xf32, #tpu.memory_space<vmem>>, vector<16xf32>,
        tpu.vector_store %arg7[%swap3A_226, %swap3A_227, %swap3A_228], %gather3A_224 {strides = array<i32>} : memref<64x4x224xf32, #tpu.memory_space<vmem>>, vector<16xf32>,
        %add3A_230 = arith.constant 300 : i32
        %add3A_231 = vector.broadcast %add3A_230 : i32 to vector<16xi32>
        %add3A_232 = arith.addi %get3A_54, %add3A_231 : vector<16xi32>
        %gather3A_233 = tpu.vector_load_idx %arg5[%add3A_232] : memref<1280xf32, #tpu.memory_space<vmem>>[vector<16xi32>], vector<16xf32>,
        %swap3A_234 = arith.constant 15 : i32
        %swap3A_235 = arith.index_cast %swap3A_234 : i32 to index
        %swap3A_236 = arith.index_cast %select_n3A_78 : i32 to index
        %swap3A_237 = arith.index_cast %mul3A_96 : i32 to index
        %swap3A_238 = tpu.vector_load %arg7[%swap3A_235, %swap3A_236, %swap3A_237] {strides = array<i32>} : memref<64x4x224xf32, #tpu.memory_space<vmem>>, vector<16xf32>,
        tpu.vector_store %arg7[%swap3A_235, %swap3A_236, %swap3A_237], %gather3A_233 {strides = array<i32>} : memref<64x4x224xf32, #tpu.memory_space<vmem>>, vector<16xf32>,
        %add3A_239 = arith.constant 320 : i32
        %add3A_240 = vector.broadcast %add3A_239 : i32 to vector<16xi32>
        %add3A_241 = arith.addi %get3A_54, %add3A_240 : vector<16xi32>
        %gather3A_242 = tpu.vector_load_idx %arg5[%add3A_241] : memref<1280xf32, #tpu.memory_space<vmem>>[vector<16xi32>], vector<16xf32>,
        %swap3A_243 = arith.constant 16 : i32
        %swap3A_244 = arith.index_cast %swap3A_243 : i32 to index
        %swap3A_245 = arith.index_cast %select_n3A_78 : i32 to index
        %swap3A_246 = arith.index_cast %mul3A_96 : i32 to index
        %swap3A_247 = tpu.vector_load %arg7[%swap3A_244, %swap3A_245, %swap3A_246] {strides = array<i32>} : memref<64x4x224xf32, #tpu.memory_space<vmem>>, vector<16xf32>,
        tpu.vector_store %arg7[%swap3A_244, %swap3A_245, %swap3A_246], %gather3A_242 {strides = array<i32>} : memref<64x4x224xf32, #tpu.memory_space<vmem>>, vector<16xf32>,
        %add3A_248 = arith.constant 340 : i32
        %add3A_249 = vector.broadcast %add3A_248 : i32 to vector<16xi32>
        %add3A_250 = arith.addi %get3A_54, %add3A_249 : vector<16xi32>
        %gather3A_251 = tpu.vector_load_idx %arg5[%add3A_250] : memref<1280xf32, #tpu.memory_space<vmem>>[vector<16xi32>], vector<16xf32>,
        %swap3A_252 = arith.constant 17 : i32
        %swap3A_253 = arith.index_cast %swap3A_252 : i32 to index
        %swap3A_254 = arith.index_cast %select_n3A_78 : i32 to index
        %swap3A_255 = arith.index_cast %mul3A_96 : i32 to index
        %swap3A_256 = tpu.vector_load %arg7[%swap3A_253, %swap3A_254, %swap3A_255] {strides = array<i32>} : memref<64x4x224xf32, #tpu.memory_space<vmem>>, vector<16xf32>,
        tpu.vector_store %arg7[%swap3A_253, %swap3A_254, %swap3A_255], %gather3A_251 {strides = array<i32>} : memref<64x4x224xf32, #tpu.memory_space<vmem>>, vector<16xf32>,
        %add3A_257 = arith.constant 360 : i32
        %add3A_258 = vector.broadcast %add3A_257 : i32 to vector<16xi32>
        %add3A_259 = arith.addi %get3A_54, %add3A_258 : vector<16xi32>
        %gather3A_260 = tpu.vector_load_idx %arg5[%add3A_259] : memref<1280xf32, #tpu.memory_space<vmem>>[vector<16xi32>], vector<16xf32>,
        %swap3A_261 = arith.constant 18 : i32
        %swap3A_262 = arith.index_cast %swap3A_261 : i32 to index
        %swap3A_263 = arith.index_cast %select_n3A_78 : i32 to index
        %swap3A_264 = arith.index_cast %mul3A_96 : i32 to index
        %swap3A_265 = tpu.vector_load %arg7[%swap3A_262, %swap3A_263, %swap3A_264] {strides = array<i32>} : memref<64x4x224xf32, #tpu.memory_space<vmem>>, vector<16xf32>,
        tpu.vector_store %arg7[%swap3A_262, %swap3A_263, %swap3A_264], %gather3A_260 {strides = array<i32>} : memref<64x4x224xf32, #tpu.memory_space<vmem>>, vector<16xf32>,
        %add3A_266 = arith.constant 380 : i32
        %add3A_267 = vector.broadcast %add3A_266 : i32 to vector<16xi32>
        %add3A_268 = arith.addi %get3A_54, %add3A_267 : vector<16xi32>
        %gather3A_269 = tpu.vector_load_idx %arg5[%add3A_268] : memref<1280xf32, #tpu.memory_space<vmem>>[vector<16xi32>], vector<16xf32>,
        %swap3A_270 = arith.constant 19 : i32
        %swap3A_271 = arith.index_cast %swap3A_270 : i32 to index
        %swap3A_272 = arith.index_cast %select_n3A_78 : i32 to index
        %swap3A_273 = arith.index_cast %mul3A_96 : i32 to index
        %swap3A_274 = tpu.vector_load %arg7[%swap3A_271, %swap3A_272, %swap3A_273] {strides = array<i32>} : memref<64x4x224xf32, #tpu.memory_space<vmem>>, vector<16xf32>,
        tpu.vector_store %arg7[%swap3A_271, %swap3A_272, %swap3A_273], %gather3A_269 {strides = array<i32>} : memref<64x4x224xf32, #tpu.memory_space<vmem>>, vector<16xf32>,
        %add3A_275 = arith.constant 400 : i32
        %add3A_276 = vector.broadcast %add3A_275 : i32 to vector<16xi32>
        %add3A_277 = arith.addi %get3A_54, %add3A_276 : vector<16xi32>
        %gather3A_278 = tpu.vector_load_idx %arg5[%add3A_277] : memref<1280xf32, #tpu.memory_space<vmem>>[vector<16xi32>], vector<16xf32>,
        %swap3A_279 = arith.constant 20 : i32
        %swap3A_280 = arith.index_cast %swap3A_279 : i32 to index
        %swap3A_281 = arith.index_cast %select_n3A_78 : i32 to index
        %swap3A_282 = arith.index_cast %mul3A_96 : i32 to index
        %swap3A_283 = tpu.vector_load %arg7[%swap3A_280, %swap3A_281, %swap3A_282] {strides = array<i32>} : memref<64x4x224xf32, #tpu.memory_space<vmem>>, vector<16xf32>,
        tpu.vector_store %arg7[%swap3A_280, %swap3A_281, %swap3A_282], %gather3A_278 {strides = array<i32>} : memref<64x4x224xf32, #tpu.memory_space<vmem>>, vector<16xf32>,
        %add3A_284 = arith.constant 420 : i32
        %add3A_285 = vector.broadcast %add3A_284 : i32 to vector<16xi32>
        %add3A_286 = arith.addi %get3A_54, %add3A_285 : vector<16xi32>
        %gather3A_287 = tpu.vector_load_idx %arg5[%add3A_286] : memref<1280xf32, #tpu.memory_space<vmem>>[vector<16xi32>], vector<16xf32>,
        %swap3A_288 = arith.constant 21 : i32
        %swap3A_289 = arith.index_cast %swap3A_288 : i32 to index
        %swap3A_290 = arith.index_cast %select_n3A_78 : i32 to index
        %swap3A_291 = arith.index_cast %mul3A_96 : i32 to index
        %swap3A_292 = tpu.vector_load %arg7[%swap3A_289, %swap3A_290, %swap3A_291] {strides = array<i32>} : memref<64x4x224xf32, #tpu.memory_space<vmem>>, vector<16xf32>,
        tpu.vector_store %arg7[%swap3A_289, %swap3A_290, %swap3A_291], %gather3A_287 {strides = array<i32>} : memref<64x4x224xf32, #tpu.memory_space<vmem>>, vector<16xf32>,
        %add3A_293 = arith.constant 440 : i32
        %add3A_294 = vector.broadcast %add3A_293 : i32 to vector<16xi32>
        %add3A_295 = arith.addi %get3A_54, %add3A_294 : vector<16xi32>
        %gather3A_296 = tpu.vector_load_idx %arg5[%add3A_295] : memref<1280xf32, #tpu.memory_space<vmem>>[vector<16xi32>], vector<16xf32>,
        %swap3A_297 = arith.constant 22 : i32
        %swap3A_298 = arith.index_cast %swap3A_297 : i32 to index
        %swap3A_299 = arith.index_cast %select_n3A_78 : i32 to index
        %swap3A_300 = arith.index_cast %mul3A_96 : i32 to index
        %swap3A_301 = tpu.vector_load %arg7[%swap3A_298, %swap3A_299, %swap3A_300] {strides = array<i32>} : memref<64x4x224xf32, #tpu.memory_space<vmem>>, vector<16xf32>,
        tpu.vector_store %arg7[%swap3A_298, %swap3A_299, %swap3A_300], %gather3A_296 {strides = array<i32>} : memref<64x4x224xf32, #tpu.memory_space<vmem>>, vector<16xf32>,
        %add3A_302 = arith.constant 460 : i32
        %add3A_303 = vector.broadcast %add3A_302 : i32 to vector<16xi32>
        %add3A_304 = arith.addi %get3A_54, %add3A_303 : vector<16xi32>
        %gather3A_305 = tpu.vector_load_idx %arg5[%add3A_304] : memref<1280xf32, #tpu.memory_space<vmem>>[vector<16xi32>], vector<16xf32>,
        %swap3A_306 = arith.constant 23 : i32
        %swap3A_307 = arith.index_cast %swap3A_306 : i32 to index
        %swap3A_308 = arith.index_cast %select_n3A_78 : i32 to index
        %swap3A_309 = arith.index_cast %mul3A_96 : i32 to index
        %swap3A_310 = tpu.vector_load %arg7[%swap3A_307, %swap3A_308, %swap3A_309] {strides = array<i32>} : memref<64x4x224xf32, #tpu.memory_space<vmem>>, vector<16xf32>,
        tpu.vector_store %arg7[%swap3A_307, %swap3A_308, %swap3A_309], %gather3A_305 {strides = array<i32>} : memref<64x4x224xf32, #tpu.memory_space<vmem>>, vector<16xf32>,
        %add3A_311 = arith.constant 480 : i32
        %add3A_312 = vector.broadcast %add3A_311 : i32 to vector<16xi32>
        %add3A_313 = arith.addi %get3A_54, %add3A_312 : vector<16xi32>
        %gather3A_314 = tpu.vector_load_idx %arg5[%add3A_313] : memref<1280xf32, #tpu.memory_space<vmem>>[vector<16xi32>], vector<16xf32>,
        %swap3A_315 = arith.constant 24 : i32
        %swap3A_316 = arith.index_cast %swap3A_315 : i32 to index
        %swap3A_317 = arith.index_cast %select_n3A_78 : i32 to index
        %swap3A_318 = arith.index_cast %mul3A_96 : i32 to index
        %swap3A_319 = tpu.vector_load %arg7[%swap3A_316, %swap3A_317, %swap3A_318] {strides = array<i32>} : memref<64x4x224xf32, #tpu.memory_space<vmem>>, vector<16xf32>,
        tpu.vector_store %arg7[%swap3A_316, %swap3A_317, %swap3A_318], %gather3A_314 {strides = array<i32>} : memref<64x4x224xf32, #tpu.memory_space<vmem>>, vector<16xf32>,
        %add3A_320 = arith.constant 500 : i32
        %add3A_321 = vector.broadcast %add3A_320 : i32 to vector<16xi32>
        %add3A_322 = arith.addi %get3A_54, %add3A_321 : vector<16xi32>
        %gather3A_323 = tpu.vector_load_idx %arg5[%add3A_322] : memref<1280xf32, #tpu.memory_space<vmem>>[vector<16xi32>], vector<16xf32>,
        %swap3A_324 = arith.constant 25 : i32
        %swap3A_325 = arith.index_cast %swap3A_324 : i32 to index
        %swap3A_326 = arith.index_cast %select_n3A_78 : i32 to index
        %swap3A_327 = arith.index_cast %mul3A_96 : i32 to index
        %swap3A_328 = tpu.vector_load %arg7[%swap3A_325, %swap3A_326, %swap3A_327] {strides = array<i32>} : memref<64x4x224xf32, #tpu.memory_space<vmem>>, vector<16xf32>,
        tpu.vector_store %arg7[%swap3A_325, %swap3A_326, %swap3A_327], %gather3A_323 {strides = array<i32>} : memref<64x4x224xf32, #tpu.memory_space<vmem>>, vector<16xf32>,
        %add3A_329 = arith.constant 520 : i32
        %add3A_330 = vector.broadcast %add3A_329 : i32 to vector<16xi32>
        %add3A_331 = arith.addi %get3A_54, %add3A_330 : vector<16xi32>
        %gather3A_332 = tpu.vector_load_idx %arg5[%add3A_331] : memref<1280xf32, #tpu.memory_space<vmem>>[vector<16xi32>], vector<16xf32>,
        %swap3A_333 = arith.constant 26 : i32
        %swap3A_334 = arith.index_cast %swap3A_333 : i32 to index
        %swap3A_335 = arith.index_cast %select_n3A_78 : i32 to index
        %swap3A_336 = arith.index_cast %mul3A_96 : i32 to index
        %swap3A_337 = tpu.vector_load %arg7[%swap3A_334, %swap3A_335, %swap3A_336] {strides = array<i32>} : memref<64x4x224xf32, #tpu.memory_space<vmem>>, vector<16xf32>,
        tpu.vector_store %arg7[%swap3A_334, %swap3A_335, %swap3A_336], %gather3A_332 {strides = array<i32>} : memref<64x4x224xf32, #tpu.memory_space<vmem>>, vector<16xf32>,
        %add3A_338 = arith.constant 540 : i32
        %add3A_339 = vector.broadcast %add3A_338 : i32 to vector<16xi32>
        %add3A_340 = arith.addi %get3A_54, %add3A_339 : vector<16xi32>
        %gather3A_341 = tpu.vector_load_idx %arg5[%add3A_340] : memref<1280xf32, #tpu.memory_space<vmem>>[vector<16xi32>], vector<16xf32>,
        %swap3A_342 = arith.constant 27 : i32
        %swap3A_343 = arith.index_cast %swap3A_342 : i32 to index
        %swap3A_344 = arith.index_cast %select_n3A_78 : i32 to index
        %swap3A_345 = arith.index_cast %mul3A_96 : i32 to index
        %swap3A_346 = tpu.vector_load %arg7[%swap3A_343, %swap3A_344, %swap3A_345] {strides = array<i32>} : memref<64x4x224xf32, #tpu.memory_space<vmem>>, vector<16xf32>,
        tpu.vector_store %arg7[%swap3A_343, %swap3A_344, %swap3A_345], %gather3A_341 {strides = array<i32>} : memref<64x4x224xf32, #tpu.memory_space<vmem>>, vector<16xf32>,
        %add3A_347 = arith.constant 560 : i32
        %add3A_348 = vector.broadcast %add3A_347 : i32 to vector<16xi32>
        %add3A_349 = arith.addi %get3A_54, %add3A_348 : vector<16xi32>
        %gather3A_350 = tpu.vector_load_idx %arg5[%add3A_349] : memref<1280xf32, #tpu.memory_space<vmem>>[vector<16xi32>], vector<16xf32>,
        %swap3A_351 = arith.constant 28 : i32
        %swap3A_352 = arith.index_cast %swap3A_351 : i32 to index
        %swap3A_353 = arith.index_cast %select_n3A_78 : i32 to index
        %swap3A_354 = arith.index_cast %mul3A_96 : i32 to index
        %swap3A_355 = tpu.vector_load %arg7[%swap3A_352, %swap3A_353, %swap3A_354] {strides = array<i32>} : memref<64x4x224xf32, #tpu.memory_space<vmem>>, vector<16xf32>,
        tpu.vector_store %arg7[%swap3A_352, %swap3A_353, %swap3A_354], %gather3A_350 {strides = array<i32>} : memref<64x4x224xf32, #tpu.memory_space<vmem>>, vector<16xf32>,
        %add3A_356 = arith.constant 580 : i32
        %add3A_357 = vector.broadcast %add3A_356 : i32 to vector<16xi32>
        %add3A_358 = arith.addi %get3A_54, %add3A_357 : vector<16xi32>
        %gather3A_359 = tpu.vector_load_idx %arg5[%add3A_358] : memref<1280xf32, #tpu.memory_space<vmem>>[vector<16xi32>], vector<16xf32>,
        %swap3A_360 = arith.constant 29 : i32
        %swap3A_361 = arith.index_cast %swap3A_360 : i32 to index
        %swap3A_362 = arith.index_cast %select_n3A_78 : i32 to index
        %swap3A_363 = arith.index_cast %mul3A_96 : i32 to index
        %swap3A_364 = tpu.vector_load %arg7[%swap3A_361, %swap3A_362, %swap3A_363] {strides = array<i32>} : memref<64x4x224xf32, #tpu.memory_space<vmem>>, vector<16xf32>,
        tpu.vector_store %arg7[%swap3A_361, %swap3A_362, %swap3A_363], %gather3A_359 {strides = array<i32>} : memref<64x4x224xf32, #tpu.memory_space<vmem>>, vector<16xf32>,
        %add3A_365 = arith.constant 600 : i32
        %add3A_366 = vector.broadcast %add3A_365 : i32 to vector<16xi32>
        %add3A_367 = arith.addi %get3A_54, %add3A_366 : vector<16xi32>
        %gather3A_368 = tpu.vector_load_idx %arg5[%add3A_367] : memref<1280xf32, #tpu.memory_space<vmem>>[vector<16xi32>], vector<16xf32>,
        %swap3A_369 = arith.constant 30 : i32
        %swap3A_370 = arith.index_cast %swap3A_369 : i32 to index
        %swap3A_371 = arith.index_cast %select_n3A_78 : i32 to index
        %swap3A_372 = arith.index_cast %mul3A_96 : i32 to index
        %swap3A_373 = tpu.vector_load %arg7[%swap3A_370, %swap3A_371, %swap3A_372] {strides = array<i32>} : memref<64x4x224xf32, #tpu.memory_space<vmem>>, vector<16xf32>,
        tpu.vector_store %arg7[%swap3A_370, %swap3A_371, %swap3A_372], %gather3A_368 {strides = array<i32>} : memref<64x4x224xf32, #tpu.memory_space<vmem>>, vector<16xf32>,
        %add3A_374 = arith.constant 620 : i32
        %add3A_375 = vector.broadcast %add3A_374 : i32 to vector<16xi32>
        %add3A_376 = arith.addi %get3A_54, %add3A_375 : vector<16xi32>
        %gather3A_377 = tpu.vector_load_idx %arg5[%add3A_376] : memref<1280xf32, #tpu.memory_space<vmem>>[vector<16xi32>], vector<16xf32>,
        %swap3A_378 = arith.constant 31 : i32
        %swap3A_379 = arith.index_cast %swap3A_378 : i32 to index
        %swap3A_380 = arith.index_cast %select_n3A_78 : i32 to index
        %swap3A_381 = arith.index_cast %mul3A_96 : i32 to index
        %swap3A_382 = tpu.vector_load %arg7[%swap3A_379, %swap3A_380, %swap3A_381] {strides = array<i32>} : memref<64x4x224xf32, #tpu.memory_space<vmem>>, vector<16xf32>,
        tpu.vector_store %arg7[%swap3A_379, %swap3A_380, %swap3A_381], %gather3A_377 {strides = array<i32>} : memref<64x4x224xf32, #tpu.memory_space<vmem>>, vector<16xf32>,
        %add3A_383 = arith.constant 640 : i32
        %add3A_384 = vector.broadcast %add3A_383 : i32 to vector<16xi32>
        %add3A_385 = arith.addi %get3A_54, %add3A_384 : vector<16xi32>
        %gather3A_386 = tpu.vector_load_idx %arg5[%add3A_385] : memref<1280xf32, #tpu.memory_space<vmem>>[vector<16xi32>], vector<16xf32>,
        %swap3A_387 = arith.constant 32 : i32
        %swap3A_388 = arith.index_cast %swap3A_387 : i32 to index
        %swap3A_389 = arith.index_cast %select_n3A_78 : i32 to index
        %swap3A_390 = arith.index_cast %mul3A_96 : i32 to index
        %swap3A_391 = tpu.vector_load %arg7[%swap3A_388, %swap3A_389, %swap3A_390] {strides = array<i32>} : memref<64x4x224xf32, #tpu.memory_space<vmem>>, vector<16xf32>,
        tpu.vector_store %arg7[%swap3A_388, %swap3A_389, %swap3A_390], %gather3A_386 {strides = array<i32>} : memref<64x4x224xf32, #tpu.memory_space<vmem>>, vector<16xf32>,
        %add3A_392 = arith.constant 660 : i32
        %add3A_393 = vector.broadcast %add3A_392 : i32 to vector<16xi32>
        %add3A_394 = arith.addi %get3A_54, %add3A_393 : vector<16xi32>
        %gather3A_395 = tpu.vector_load_idx %arg5[%add3A_394] : memref<1280xf32, #tpu.memory_space<vmem>>[vector<16xi32>], vector<16xf32>,
        %swap3A_396 = arith.constant 33 : i32
        %swap3A_397 = arith.index_cast %swap3A_396 : i32 to index
        %swap3A_398 = arith.index_cast %select_n3A_78 : i32 to index
        %swap3A_399 = arith.index_cast %mul3A_96 : i32 to index
        %swap3A_400 = tpu.vector_load %arg7[%swap3A_397, %swap3A_398, %swap3A_399] {strides = array<i32>} : memref<64x4x224xf32, #tpu.memory_space<vmem>>, vector<16xf32>,
        tpu.vector_store %arg7[%swap3A_397, %swap3A_398, %swap3A_399], %gather3A_395 {strides = array<i32>} : memref<64x4x224xf32, #tpu.memory_space<vmem>>, vector<16xf32>,
        %add3A_401 = arith.constant 680 : i32
        %add3A_402 = vector.broadcast %add3A_401 : i32 to vector<16xi32>
        %add3A_403 = arith.addi %get3A_54, %add3A_402 : vector<16xi32>
        %gather3A_404 = tpu.vector_load_idx %arg5[%add3A_403] : memref<1280xf32, #tpu.memory_space<vmem>>[vector<16xi32>], vector<16xf32>,
        %swap3A_405 = arith.constant 34 : i32
        %swap3A_406 = arith.index_cast %swap3A_405 : i32 to index
        %swap3A_407 = arith.index_cast %select_n3A_78 : i32 to index
        %swap3A_408 = arith.index_cast %mul3A_96 : i32 to index
        %swap3A_409 = tpu.vector_load %arg7[%swap3A_406, %swap3A_407, %swap3A_408] {strides = array<i32>} : memref<64x4x224xf32, #tpu.memory_space<vmem>>, vector<16xf32>,
        tpu.vector_store %arg7[%swap3A_406, %swap3A_407, %swap3A_408], %gather3A_404 {strides = array<i32>} : memref<64x4x224xf32, #tpu.memory_space<vmem>>, vector<16xf32>,
        %add3A_410 = arith.constant 700 : i32
        %add3A_411 = vector.broadcast %add3A_410 : i32 to vector<16xi32>
        %add3A_412 = arith.addi %get3A_54, %add3A_411 : vector<16xi32>
        %gather3A_413 = tpu.vector_load_idx %arg5[%add3A_412] : memref<1280xf32, #tpu.memory_space<vmem>>[vector<16xi32>], vector<16xf32>,
        %swap3A_414 = arith.constant 35 : i32
        %swap3A_415 = arith.index_cast %swap3A_414 : i32 to index
        %swap3A_416 = arith.index_cast %select_n3A_78 : i32 to index
        %swap3A_417 = arith.index_cast %mul3A_96 : i32 to index
        %swap3A_418 = tpu.vector_load %arg7[%swap3A_415, %swap3A_416, %swap3A_417] {strides = array<i32>} : memref<64x4x224xf32, #tpu.memory_space<vmem>>, vector<16xf32>,
        tpu.vector_store %arg7[%swap3A_415, %swap3A_416, %swap3A_417], %gather3A_413 {strides = array<i32>} : memref<64x4x224xf32, #tpu.memory_space<vmem>>, vector<16xf32>,
        %add3A_419 = arith.constant 720 : i32
        %add3A_420 = vector.broadcast %add3A_419 : i32 to vector<16xi32>
        %add3A_421 = arith.addi %get3A_54, %add3A_420 : vector<16xi32>
        %gather3A_422 = tpu.vector_load_idx %arg5[%add3A_421] : memref<1280xf32, #tpu.memory_space<vmem>>[vector<16xi32>], vector<16xf32>,
        %swap3A_423 = arith.constant 36 : i32
        %swap3A_424 = arith.index_cast %swap3A_423 : i32 to index
        %swap3A_425 = arith.index_cast %select_n3A_78 : i32 to index
        %swap3A_426 = arith.index_cast %mul3A_96 : i32 to index
        %swap3A_427 = tpu.vector_load %arg7[%swap3A_424, %swap3A_425, %swap3A_426] {strides = array<i32>} : memref<64x4x224xf32, #tpu.memory_space<vmem>>, vector<16xf32>,
        tpu.vector_store %arg7[%swap3A_424, %swap3A_425, %swap3A_426], %gather3A_422 {strides = array<i32>} : memref<64x4x224xf32, #tpu.memory_space<vmem>>, vector<16xf32>,
        %add3A_428 = arith.constant 740 : i32
        %add3A_429 = vector.broadcast %add3A_428 : i32 to vector<16xi32>
        %add3A_430 = arith.addi %get3A_54, %add3A_429 : vector<16xi32>
        %gather3A_431 = tpu.vector_load_idx %arg5[%add3A_430] : memref<1280xf32, #tpu.memory_space<vmem>>[vector<16xi32>], vector<16xf32>,
        %swap3A_432 = arith.constant 37 : i32
        %swap3A_433 = arith.index_cast %swap3A_432 : i32 to index
        %swap3A_434 = arith.index_cast %select_n3A_78 : i32 to index
        %swap3A_435 = arith.index_cast %mul3A_96 : i32 to index
        %swap3A_436 = tpu.vector_load %arg7[%swap3A_433, %swap3A_434, %swap3A_435] {strides = array<i32>} : memref<64x4x224xf32, #tpu.memory_space<vmem>>, vector<16xf32>,
        tpu.vector_store %arg7[%swap3A_433, %swap3A_434, %swap3A_435], %gather3A_431 {strides = array<i32>} : memref<64x4x224xf32, #tpu.memory_space<vmem>>, vector<16xf32>,
        %add3A_437 = arith.constant 760 : i32
        %add3A_438 = vector.broadcast %add3A_437 : i32 to vector<16xi32>
        %add3A_439 = arith.addi %get3A_54, %add3A_438 : vector<16xi32>
        %gather3A_440 = tpu.vector_load_idx %arg5[%add3A_439] : memref<1280xf32, #tpu.memory_space<vmem>>[vector<16xi32>], vector<16xf32>,
        %swap3A_441 = arith.constant 38 : i32
        %swap3A_442 = arith.index_cast %swap3A_441 : i32 to index
        %swap3A_443 = arith.index_cast %select_n3A_78 : i32 to index
        %swap3A_444 = arith.index_cast %mul3A_96 : i32 to index
        %swap3A_445 = tpu.vector_load %arg7[%swap3A_442, %swap3A_443, %swap3A_444] {strides = array<i32>} : memref<64x4x224xf32, #tpu.memory_space<vmem>>, vector<16xf32>,
        tpu.vector_store %arg7[%swap3A_442, %swap3A_443, %swap3A_444], %gather3A_440 {strides = array<i32>} : memref<64x4x224xf32, #tpu.memory_space<vmem>>, vector<16xf32>,
        %add3A_446 = arith.constant 780 : i32
        %add3A_447 = vector.broadcast %add3A_446 : i32 to vector<16xi32>
        %add3A_448 = arith.addi %get3A_54, %add3A_447 : vector<16xi32>
        %gather3A_449 = tpu.vector_load_idx %arg5[%add3A_448] : memref<1280xf32, #tpu.memory_space<vmem>>[vector<16xi32>], vector<16xf32>,
        %swap3A_450 = arith.constant 39 : i32
        %swap3A_451 = arith.index_cast %swap3A_450 : i32 to index
        %swap3A_452 = arith.index_cast %select_n3A_78 : i32 to index
        %swap3A_453 = arith.index_cast %mul3A_96 : i32 to index
        %swap3A_454 = tpu.vector_load %arg7[%swap3A_451, %swap3A_452, %swap3A_453] {strides = array<i32>} : memref<64x4x224xf32, #tpu.memory_space<vmem>>, vector<16xf32>,
        tpu.vector_store %arg7[%swap3A_451, %swap3A_452, %swap3A_453], %gather3A_449 {strides = array<i32>} : memref<64x4x224xf32, #tpu.memory_space<vmem>>, vector<16xf32>,
        %add3A_455 = arith.constant 800 : i32
        %add3A_456 = vector.broadcast %add3A_455 : i32 to vector<16xi32>
        %add3A_457 = arith.addi %get3A_54, %add3A_456 : vector<16xi32>
        %gather3A_458 = tpu.vector_load_idx %arg5[%add3A_457] : memref<1280xf32, #tpu.memory_space<vmem>>[vector<16xi32>], vector<16xf32>,
        %swap3A_459 = arith.constant 40 : i32
        %swap3A_460 = arith.index_cast %swap3A_459 : i32 to index
        %swap3A_461 = arith.index_cast %select_n3A_78 : i32 to index
        %swap3A_462 = arith.index_cast %mul3A_96 : i32 to index
        %swap3A_463 = tpu.vector_load %arg7[%swap3A_460, %swap3A_461, %swap3A_462] {strides = array<i32>} : memref<64x4x224xf32, #tpu.memory_space<vmem>>, vector<16xf32>,
        tpu.vector_store %arg7[%swap3A_460, %swap3A_461, %swap3A_462], %gather3A_458 {strides = array<i32>} : memref<64x4x224xf32, #tpu.memory_space<vmem>>, vector<16xf32>,
        %add3A_464 = arith.constant 820 : i32
        %add3A_465 = vector.broadcast %add3A_464 : i32 to vector<16xi32>
        %add3A_466 = arith.addi %get3A_54, %add3A_465 : vector<16xi32>
        %gather3A_467 = tpu.vector_load_idx %arg5[%add3A_466] : memref<1280xf32, #tpu.memory_space<vmem>>[vector<16xi32>], vector<16xf32>,
        %swap3A_468 = arith.constant 41 : i32
        %swap3A_469 = arith.index_cast %swap3A_468 : i32 to index
        %swap3A_470 = arith.index_cast %select_n3A_78 : i32 to index
        %swap3A_471 = arith.index_cast %mul3A_96 : i32 to index
        %swap3A_472 = tpu.vector_load %arg7[%swap3A_469, %swap3A_470, %swap3A_471] {strides = array<i32>} : memref<64x4x224xf32, #tpu.memory_space<vmem>>, vector<16xf32>,
        tpu.vector_store %arg7[%swap3A_469, %swap3A_470, %swap3A_471], %gather3A_467 {strides = array<i32>} : memref<64x4x224xf32, #tpu.memory_space<vmem>>, vector<16xf32>,
        %add3A_473 = arith.constant 840 : i32
        %add3A_474 = vector.broadcast %add3A_473 : i32 to vector<16xi32>
        %add3A_475 = arith.addi %get3A_54, %add3A_474 : vector<16xi32>
        %gather3A_476 = tpu.vector_load_idx %arg5[%add3A_475] : memref<1280xf32, #tpu.memory_space<vmem>>[vector<16xi32>], vector<16xf32>,
        %swap3A_477 = arith.constant 42 : i32
        %swap3A_478 = arith.index_cast %swap3A_477 : i32 to index
        %swap3A_479 = arith.index_cast %select_n3A_78 : i32 to index
        %swap3A_480 = arith.index_cast %mul3A_96 : i32 to index
        %swap3A_481 = tpu.vector_load %arg7[%swap3A_478, %swap3A_479, %swap3A_480] {strides = array<i32>} : memref<64x4x224xf32, #tpu.memory_space<vmem>>, vector<16xf32>,
        tpu.vector_store %arg7[%swap3A_478, %swap3A_479, %swap3A_480], %gather3A_476 {strides = array<i32>} : memref<64x4x224xf32, #tpu.memory_space<vmem>>, vector<16xf32>,
        %add3A_482 = arith.constant 860 : i32
        %add3A_483 = vector.broadcast %add3A_482 : i32 to vector<16xi32>
        %add3A_484 = arith.addi %get3A_54, %add3A_483 : vector<16xi32>
        %gather3A_485 = tpu.vector_load_idx %arg5[%add3A_484] : memref<1280xf32, #tpu.memory_space<vmem>>[vector<16xi32>], vector<16xf32>,
        %swap3A_486 = arith.constant 43 : i32
        %swap3A_487 = arith.index_cast %swap3A_486 : i32 to index
        %swap3A_488 = arith.index_cast %select_n3A_78 : i32 to index
        %swap3A_489 = arith.index_cast %mul3A_96 : i32 to index
        %swap3A_490 = tpu.vector_load %arg7[%swap3A_487, %swap3A_488, %swap3A_489] {strides = array<i32>} : memref<64x4x224xf32, #tpu.memory_space<vmem>>, vector<16xf32>,
        tpu.vector_store %arg7[%swap3A_487, %swap3A_488, %swap3A_489], %gather3A_485 {strides = array<i32>} : memref<64x4x224xf32, #tpu.memory_space<vmem>>, vector<16xf32>,
        %add3A_491 = arith.constant 880 : i32
        %add3A_492 = vector.broadcast %add3A_491 : i32 to vector<16xi32>
        %add3A_493 = arith.addi %get3A_54, %add3A_492 : vector<16xi32>
        %gather3A_494 = tpu.vector_load_idx %arg5[%add3A_493] : memref<1280xf32, #tpu.memory_space<vmem>>[vector<16xi32>], vector<16xf32>,
        %swap3A_495 = arith.constant 44 : i32
        %swap3A_496 = arith.index_cast %swap3A_495 : i32 to index
        %swap3A_497 = arith.index_cast %select_n3A_78 : i32 to index
        %swap3A_498 = arith.index_cast %mul3A_96 : i32 to index
        %swap3A_499 = tpu.vector_load %arg7[%swap3A_496, %swap3A_497, %swap3A_498] {strides = array<i32>} : memref<64x4x224xf32, #tpu.memory_space<vmem>>, vector<16xf32>,
        tpu.vector_store %arg7[%swap3A_496, %swap3A_497, %swap3A_498], %gather3A_494 {strides = array<i32>} : memref<64x4x224xf32, #tpu.memory_space<vmem>>, vector<16xf32>,
        %add3A_500 = arith.constant 900 : i32
        %add3A_501 = vector.broadcast %add3A_500 : i32 to vector<16xi32>
        %add3A_502 = arith.addi %get3A_54, %add3A_501 : vector<16xi32>
        %gather3A_503 = tpu.vector_load_idx %arg5[%add3A_502] : memref<1280xf32, #tpu.memory_space<vmem>>[vector<16xi32>], vector<16xf32>,
        %swap3A_504 = arith.constant 45 : i32
        %swap3A_505 = arith.index_cast %swap3A_504 : i32 to index
        %swap3A_506 = arith.index_cast %select_n3A_78 : i32 to index
        %swap3A_507 = arith.index_cast %mul3A_96 : i32 to index
        %swap3A_508 = tpu.vector_load %arg7[%swap3A_505, %swap3A_506, %swap3A_507] {strides = array<i32>} : memref<64x4x224xf32, #tpu.memory_space<vmem>>, vector<16xf32>,
        tpu.vector_store %arg7[%swap3A_505, %swap3A_506, %swap3A_507], %gather3A_503 {strides = array<i32>} : memref<64x4x224xf32, #tpu.memory_space<vmem>>, vector<16xf32>,
        %add3A_509 = arith.constant 920 : i32
        %add3A_510 = vector.broadcast %add3A_509 : i32 to vector<16xi32>
        %add3A_511 = arith.addi %get3A_54, %add3A_510 : vector<16xi32>
        %gather3A_512 = tpu.vector_load_idx %arg5[%add3A_511] : memref<1280xf32, #tpu.memory_space<vmem>>[vector<16xi32>], vector<16xf32>,
        %swap3A_513 = arith.constant 46 : i32
        %swap3A_514 = arith.index_cast %swap3A_513 : i32 to index
        %swap3A_515 = arith.index_cast %select_n3A_78 : i32 to index
        %swap3A_516 = arith.index_cast %mul3A_96 : i32 to index
        %swap3A_517 = tpu.vector_load %arg7[%swap3A_514, %swap3A_515, %swap3A_516] {strides = array<i32>} : memref<64x4x224xf32, #tpu.memory_space<vmem>>, vector<16xf32>,
        tpu.vector_store %arg7[%swap3A_514, %swap3A_515, %swap3A_516], %gather3A_512 {strides = array<i32>} : memref<64x4x224xf32, #tpu.memory_space<vmem>>, vector<16xf32>,
        %add3A_518 = arith.constant 940 : i32
        %add3A_519 = vector.broadcast %add3A_518 : i32 to vector<16xi32>
        %add3A_520 = arith.addi %get3A_54, %add3A_519 : vector<16xi32>
        %gather3A_521 = tpu.vector_load_idx %arg5[%add3A_520] : memref<1280xf32, #tpu.memory_space<vmem>>[vector<16xi32>], vector<16xf32>,
        %swap3A_522 = arith.constant 47 : i32
        %swap3A_523 = arith.index_cast %swap3A_522 : i32 to index
        %swap3A_524 = arith.index_cast %select_n3A_78 : i32 to index
        %swap3A_525 = arith.index_cast %mul3A_96 : i32 to index
        %swap3A_526 = tpu.vector_load %arg7[%swap3A_523, %swap3A_524, %swap3A_525] {strides = array<i32>} : memref<64x4x224xf32, #tpu.memory_space<vmem>>, vector<16xf32>,
        tpu.vector_store %arg7[%swap3A_523, %swap3A_524, %swap3A_525], %gather3A_521 {strides = array<i32>} : memref<64x4x224xf32, #tpu.memory_space<vmem>>, vector<16xf32>,
        %add3A_527 = arith.constant 960 : i32
        %add3A_528 = vector.broadcast %add3A_527 : i32 to vector<16xi32>
        %add3A_529 = arith.addi %get3A_54, %add3A_528 : vector<16xi32>
        %gather3A_530 = tpu.vector_load_idx %arg5[%add3A_529] : memref<1280xf32, #tpu.memory_space<vmem>>[vector<16xi32>], vector<16xf32>,
        %swap3A_531 = arith.constant 48 : i32
        %swap3A_532 = arith.index_cast %swap3A_531 : i32 to index
        %swap3A_533 = arith.index_cast %select_n3A_78 : i32 to index
        %swap3A_534 = arith.index_cast %mul3A_96 : i32 to index
        %swap3A_535 = tpu.vector_load %arg7[%swap3A_532, %swap3A_533, %swap3A_534] {strides = array<i32>} : memref<64x4x224xf32, #tpu.memory_space<vmem>>, vector<16xf32>,
        tpu.vector_store %arg7[%swap3A_532, %swap3A_533, %swap3A_534], %gather3A_530 {strides = array<i32>} : memref<64x4x224xf32, #tpu.memory_space<vmem>>, vector<16xf32>,
        %add3A_536 = arith.constant 980 : i32
        %add3A_537 = vector.broadcast %add3A_536 : i32 to vector<16xi32>
        %add3A_538 = arith.addi %get3A_54, %add3A_537 : vector<16xi32>
        %gather3A_539 = tpu.vector_load_idx %arg5[%add3A_538] : memref<1280xf32, #tpu.memory_space<vmem>>[vector<16xi32>], vector<16xf32>,
        %swap3A_540 = arith.constant 49 : i32
        %swap3A_541 = arith.index_cast %swap3A_540 : i32 to index
        %swap3A_542 = arith.index_cast %select_n3A_78 : i32 to index
        %swap3A_543 = arith.index_cast %mul3A_96 : i32 to index
        %swap3A_544 = tpu.vector_load %arg7[%swap3A_541, %swap3A_542, %swap3A_543] {strides = array<i32>} : memref<64x4x224xf32, #tpu.memory_space<vmem>>, vector<16xf32>,
        tpu.vector_store %arg7[%swap3A_541, %swap3A_542, %swap3A_543], %gather3A_539 {strides = array<i32>} : memref<64x4x224xf32, #tpu.memory_space<vmem>>, vector<16xf32>,
        %add3A_545 = arith.constant 1000 : i32
        %add3A_546 = vector.broadcast %add3A_545 : i32 to vector<16xi32>
        %add3A_547 = arith.addi %get3A_54, %add3A_546 : vector<16xi32>
        %gather3A_548 = tpu.vector_load_idx %arg5[%add3A_547] : memref<1280xf32, #tpu.memory_space<vmem>>[vector<16xi32>], vector<16xf32>,
        %swap3A_549 = arith.constant 50 : i32
        %swap3A_550 = arith.index_cast %swap3A_549 : i32 to index
        %swap3A_551 = arith.index_cast %select_n3A_78 : i32 to index
        %swap3A_552 = arith.index_cast %mul3A_96 : i32 to index
        %swap3A_553 = tpu.vector_load %arg7[%swap3A_550, %swap3A_551, %swap3A_552] {strides = array<i32>} : memref<64x4x224xf32, #tpu.memory_space<vmem>>, vector<16xf32>,
        tpu.vector_store %arg7[%swap3A_550, %swap3A_551, %swap3A_552], %gather3A_548 {strides = array<i32>} : memref<64x4x224xf32, #tpu.memory_space<vmem>>, vector<16xf32>,
        %add3A_554 = arith.constant 1020 : i32
        %add3A_555 = vector.broadcast %add3A_554 : i32 to vector<16xi32>
        %add3A_556 = arith.addi %get3A_54, %add3A_555 : vector<16xi32>
        %gather3A_557 = tpu.vector_load_idx %arg5[%add3A_556] : memref<1280xf32, #tpu.memory_space<vmem>>[vector<16xi32>], vector<16xf32>,
        %swap3A_558 = arith.constant 51 : i32
        %swap3A_559 = arith.index_cast %swap3A_558 : i32 to index
        %swap3A_560 = arith.index_cast %select_n3A_78 : i32 to index
        %swap3A_561 = arith.index_cast %mul3A_96 : i32 to index
        %swap3A_562 = tpu.vector_load %arg7[%swap3A_559, %swap3A_560, %swap3A_561] {strides = array<i32>} : memref<64x4x224xf32, #tpu.memory_space<vmem>>, vector<16xf32>,
        tpu.vector_store %arg7[%swap3A_559, %swap3A_560, %swap3A_561], %gather3A_557 {strides = array<i32>} : memref<64x4x224xf32, #tpu.memory_space<vmem>>, vector<16xf32>,
        %add3A_563 = arith.constant 1040 : i32
        %add3A_564 = vector.broadcast %add3A_563 : i32 to vector<16xi32>
        %add3A_565 = arith.addi %get3A_54, %add3A_564 : vector<16xi32>
        %gather3A_566 = tpu.vector_load_idx %arg5[%add3A_565] : memref<1280xf32, #tpu.memory_space<vmem>>[vector<16xi32>], vector<16xf32>,
        %swap3A_567 = arith.constant 52 : i32
        %swap3A_568 = arith.index_cast %swap3A_567 : i32 to index
        %swap3A_569 = arith.index_cast %select_n3A_78 : i32 to index
        %swap3A_570 = arith.index_cast %mul3A_96 : i32 to index
        %swap3A_571 = tpu.vector_load %arg7[%swap3A_568, %swap3A_569, %swap3A_570] {strides = array<i32>} : memref<64x4x224xf32, #tpu.memory_space<vmem>>, vector<16xf32>,
        tpu.vector_store %arg7[%swap3A_568, %swap3A_569, %swap3A_570], %gather3A_566 {strides = array<i32>} : memref<64x4x224xf32, #tpu.memory_space<vmem>>, vector<16xf32>,
        %add3A_572 = arith.constant 1060 : i32
        %add3A_573 = vector.broadcast %add3A_572 : i32 to vector<16xi32>
        %add3A_574 = arith.addi %get3A_54, %add3A_573 : vector<16xi32>
        %gather3A_575 = tpu.vector_load_idx %arg5[%add3A_574] : memref<1280xf32, #tpu.memory_space<vmem>>[vector<16xi32>], vector<16xf32>,
        %swap3A_576 = arith.constant 53 : i32
        %swap3A_577 = arith.index_cast %swap3A_576 : i32 to index
        %swap3A_578 = arith.index_cast %select_n3A_78 : i32 to index
        %swap3A_579 = arith.index_cast %mul3A_96 : i32 to index
        %swap3A_580 = tpu.vector_load %arg7[%swap3A_577, %swap3A_578, %swap3A_579] {strides = array<i32>} : memref<64x4x224xf32, #tpu.memory_space<vmem>>, vector<16xf32>,
        tpu.vector_store %arg7[%swap3A_577, %swap3A_578, %swap3A_579], %gather3A_575 {strides = array<i32>} : memref<64x4x224xf32, #tpu.memory_space<vmem>>, vector<16xf32>,
        %add3A_581 = arith.constant 1080 : i32
        %add3A_582 = vector.broadcast %add3A_581 : i32 to vector<16xi32>
        %add3A_583 = arith.addi %get3A_54, %add3A_582 : vector<16xi32>
        %gather3A_584 = tpu.vector_load_idx %arg5[%add3A_583] : memref<1280xf32, #tpu.memory_space<vmem>>[vector<16xi32>], vector<16xf32>,
        %swap3A_585 = arith.constant 54 : i32
        %swap3A_586 = arith.index_cast %swap3A_585 : i32 to index
        %swap3A_587 = arith.index_cast %select_n3A_78 : i32 to index
        %swap3A_588 = arith.index_cast %mul3A_96 : i32 to index
        %swap3A_589 = tpu.vector_load %arg7[%swap3A_586, %swap3A_587, %swap3A_588] {strides = array<i32>} : memref<64x4x224xf32, #tpu.memory_space<vmem>>, vector<16xf32>,
        tpu.vector_store %arg7[%swap3A_586, %swap3A_587, %swap3A_588], %gather3A_584 {strides = array<i32>} : memref<64x4x224xf32, #tpu.memory_space<vmem>>, vector<16xf32>,
        %add3A_590 = arith.constant 1100 : i32
        %add3A_591 = vector.broadcast %add3A_590 : i32 to vector<16xi32>
        %add3A_592 = arith.addi %get3A_54, %add3A_591 : vector<16xi32>
        %gather3A_593 = tpu.vector_load_idx %arg5[%add3A_592] : memref<1280xf32, #tpu.memory_space<vmem>>[vector<16xi32>], vector<16xf32>,
        %swap3A_594 = arith.constant 55 : i32
        %swap3A_595 = arith.index_cast %swap3A_594 : i32 to index
        %swap3A_596 = arith.index_cast %select_n3A_78 : i32 to index
        %swap3A_597 = arith.index_cast %mul3A_96 : i32 to index
        %swap3A_598 = tpu.vector_load %arg7[%swap3A_595, %swap3A_596, %swap3A_597] {strides = array<i32>} : memref<64x4x224xf32, #tpu.memory_space<vmem>>, vector<16xf32>,
        tpu.vector_store %arg7[%swap3A_595, %swap3A_596, %swap3A_597], %gather3A_593 {strides = array<i32>} : memref<64x4x224xf32, #tpu.memory_space<vmem>>, vector<16xf32>,
        %add3A_599 = arith.constant 1120 : i32
        %add3A_600 = vector.broadcast %add3A_599 : i32 to vector<16xi32>
        %add3A_601 = arith.addi %get3A_54, %add3A_600 : vector<16xi32>
        %gather3A_602 = tpu.vector_load_idx %arg5[%add3A_601] : memref<1280xf32, #tpu.memory_space<vmem>>[vector<16xi32>], vector<16xf32>,
        %swap3A_603 = arith.constant 56 : i32
        %swap3A_604 = arith.index_cast %swap3A_603 : i32 to index
        %swap3A_605 = arith.index_cast %select_n3A_78 : i32 to index
        %swap3A_606 = arith.index_cast %mul3A_96 : i32 to index
        %swap3A_607 = tpu.vector_load %arg7[%swap3A_604, %swap3A_605, %swap3A_606] {strides = array<i32>} : memref<64x4x224xf32, #tpu.memory_space<vmem>>, vector<16xf32>,
        tpu.vector_store %arg7[%swap3A_604, %swap3A_605, %swap3A_606], %gather3A_602 {strides = array<i32>} : memref<64x4x224xf32, #tpu.memory_space<vmem>>, vector<16xf32>,
        %add3A_608 = arith.constant 1140 : i32
        %add3A_609 = vector.broadcast %add3A_608 : i32 to vector<16xi32>
        %add3A_610 = arith.addi %get3A_54, %add3A_609 : vector<16xi32>
        %gather3A_611 = tpu.vector_load_idx %arg5[%add3A_610] : memref<1280xf32, #tpu.memory_space<vmem>>[vector<16xi32>], vector<16xf32>,
        %swap3A_612 = arith.constant 57 : i32
        %swap3A_613 = arith.index_cast %swap3A_612 : i32 to index
        %swap3A_614 = arith.index_cast %select_n3A_78 : i32 to index
        %swap3A_615 = arith.index_cast %mul3A_96 : i32 to index
        %swap3A_616 = tpu.vector_load %arg7[%swap3A_613, %swap3A_614, %swap3A_615] {strides = array<i32>} : memref<64x4x224xf32, #tpu.memory_space<vmem>>, vector<16xf32>,
        tpu.vector_store %arg7[%swap3A_613, %swap3A_614, %swap3A_615], %gather3A_611 {strides = array<i32>} : memref<64x4x224xf32, #tpu.memory_space<vmem>>, vector<16xf32>,
        %add3A_617 = arith.constant 1160 : i32
        %add3A_618 = vector.broadcast %add3A_617 : i32 to vector<16xi32>
        %add3A_619 = arith.addi %get3A_54, %add3A_618 : vector<16xi32>
        %gather3A_620 = tpu.vector_load_idx %arg5[%add3A_619] : memref<1280xf32, #tpu.memory_space<vmem>>[vector<16xi32>], vector<16xf32>,
        %swap3A_621 = arith.constant 58 : i32
        %swap3A_622 = arith.index_cast %swap3A_621 : i32 to index
        %swap3A_623 = arith.index_cast %select_n3A_78 : i32 to index
        %swap3A_624 = arith.index_cast %mul3A_96 : i32 to index
        %swap3A_625 = tpu.vector_load %arg7[%swap3A_622, %swap3A_623, %swap3A_624] {strides = array<i32>} : memref<64x4x224xf32, #tpu.memory_space<vmem>>, vector<16xf32>,
        tpu.vector_store %arg7[%swap3A_622, %swap3A_623, %swap3A_624], %gather3A_620 {strides = array<i32>} : memref<64x4x224xf32, #tpu.memory_space<vmem>>, vector<16xf32>,
        %add3A_626 = arith.constant 1180 : i32
        %add3A_627 = vector.broadcast %add3A_626 : i32 to vector<16xi32>
        %add3A_628 = arith.addi %get3A_54, %add3A_627 : vector<16xi32>
        %gather3A_629 = tpu.vector_load_idx %arg5[%add3A_628] : memref<1280xf32, #tpu.memory_space<vmem>>[vector<16xi32>], vector<16xf32>,
        %swap3A_630 = arith.constant 59 : i32
        %swap3A_631 = arith.index_cast %swap3A_630 : i32 to index
        %swap3A_632 = arith.index_cast %select_n3A_78 : i32 to index
        %swap3A_633 = arith.index_cast %mul3A_96 : i32 to index
        %swap3A_634 = tpu.vector_load %arg7[%swap3A_631, %swap3A_632, %swap3A_633] {strides = array<i32>} : memref<64x4x224xf32, #tpu.memory_space<vmem>>, vector<16xf32>,
        tpu.vector_store %arg7[%swap3A_631, %swap3A_632, %swap3A_633], %gather3A_629 {strides = array<i32>} : memref<64x4x224xf32, #tpu.memory_space<vmem>>, vector<16xf32>,
        %add3A_635 = arith.constant 1200 : i32
        %add3A_636 = vector.broadcast %add3A_635 : i32 to vector<16xi32>
        %add3A_637 = arith.addi %get3A_54, %add3A_636 : vector<16xi32>
        %gather3A_638 = tpu.vector_load_idx %arg5[%add3A_637] : memref<1280xf32, #tpu.memory_space<vmem>>[vector<16xi32>], vector<16xf32>,
        %swap3A_639 = arith.constant 60 : i32
        %swap3A_640 = arith.index_cast %swap3A_639 : i32 to index
        %swap3A_641 = arith.index_cast %select_n3A_78 : i32 to index
        %swap3A_642 = arith.index_cast %mul3A_96 : i32 to index
        %swap3A_643 = tpu.vector_load %arg7[%swap3A_640, %swap3A_641, %swap3A_642] {strides = array<i32>} : memref<64x4x224xf32, #tpu.memory_space<vmem>>, vector<16xf32>,
        tpu.vector_store %arg7[%swap3A_640, %swap3A_641, %swap3A_642], %gather3A_638 {strides = array<i32>} : memref<64x4x224xf32, #tpu.memory_space<vmem>>, vector<16xf32>,
        %add3A_644 = arith.constant 1220 : i32
        %add3A_645 = vector.broadcast %add3A_644 : i32 to vector<16xi32>
        %add3A_646 = arith.addi %get3A_54, %add3A_645 : vector<16xi32>
        %gather3A_647 = tpu.vector_load_idx %arg5[%add3A_646] : memref<1280xf32, #tpu.memory_space<vmem>>[vector<16xi32>], vector<16xf32>,
        %swap3A_648 = arith.constant 61 : i32
        %swap3A_649 = arith.index_cast %swap3A_648 : i32 to index
        %swap3A_650 = arith.index_cast %select_n3A_78 : i32 to index
        %swap3A_651 = arith.index_cast %mul3A_96 : i32 to index
        %swap3A_652 = tpu.vector_load %arg7[%swap3A_649, %swap3A_650, %swap3A_651] {strides = array<i32>} : memref<64x4x224xf32, #tpu.memory_space<vmem>>, vector<16xf32>,
        tpu.vector_store %arg7[%swap3A_649, %swap3A_650, %swap3A_651], %gather3A_647 {strides = array<i32>} : memref<64x4x224xf32, #tpu.memory_space<vmem>>, vector<16xf32>,
        %add3A_653 = arith.constant 1240 : i32
        %add3A_654 = vector.broadcast %add3A_653 : i32 to vector<16xi32>
        %add3A_655 = arith.addi %get3A_54, %add3A_654 : vector<16xi32>
        %gather3A_656 = tpu.vector_load_idx %arg5[%add3A_655] : memref<1280xf32, #tpu.memory_space<vmem>>[vector<16xi32>], vector<16xf32>,
        %swap3A_657 = arith.constant 62 : i32
        %swap3A_658 = arith.index_cast %swap3A_657 : i32 to index
        %swap3A_659 = arith.index_cast %select_n3A_78 : i32 to index
        %swap3A_660 = arith.index_cast %mul3A_96 : i32 to index
        %swap3A_661 = tpu.vector_load %arg7[%swap3A_658, %swap3A_659, %swap3A_660] {strides = array<i32>} : memref<64x4x224xf32, #tpu.memory_space<vmem>>, vector<16xf32>,
        tpu.vector_store %arg7[%swap3A_658, %swap3A_659, %swap3A_660], %gather3A_656 {strides = array<i32>} : memref<64x4x224xf32, #tpu.memory_space<vmem>>, vector<16xf32>,
        %add3A_662 = arith.constant 1260 : i32
        %add3A_663 = vector.broadcast %add3A_662 : i32 to vector<16xi32>
        %add3A_664 = arith.addi %get3A_54, %add3A_663 : vector<16xi32>
        %gather3A_665 = tpu.vector_load_idx %arg5[%add3A_664] : memref<1280xf32, #tpu.memory_space<vmem>>[vector<16xi32>], vector<16xf32>,
        %swap3A_666 = arith.constant 63 : i32
        %swap3A_667 = arith.index_cast %swap3A_666 : i32 to index
        %swap3A_668 = arith.index_cast %select_n3A_78 : i32 to index
        %swap3A_669 = arith.index_cast %mul3A_96 : i32 to index
        %swap3A_670 = tpu.vector_load %arg7[%swap3A_667, %swap3A_668, %swap3A_669] {strides = array<i32>} : memref<64x4x224xf32, #tpu.memory_space<vmem>>, vector<16xf32>,
        tpu.vector_store %arg7[%swap3A_667, %swap3A_668, %swap3A_669], %gather3A_665 {strides = array<i32>} : memref<64x4x224xf32, #tpu.memory_space<vmem>>, vector<16xf32>,
      }
      %scan3A_48 = arith.constant 56 : i32
      %mul3A_49 = arith.constant 4 : i32
      %mul3A_50 = arith.muli %scan3A_40, %mul3A_49 : i32
      "tpu.region"() ({
        %run_scoped3A = tpu.sem_alloc : memref<!tpu.dma_semaphore, #tpu.memory_space<semaphore_mem>>
        %dma_start3A = arith.constant 0 : i32
        %dma_start3A_51 = tpu.memref_slice %arg4[%select_n3A, %mul3A_32, %mul3A_50, %dma_start3A] : memref<2x1024x224x224xf32, #tpu.memory_space<hbm>> -> memref<1x64x4x224xf32, #tpu.memory_space<hbm>>
        %dma_start3A_52 = tpu.memref_squeeze %dma_start3A_51 : memref<1x64x4x224xf32, #tpu.memory_space<hbm>> -> memref<64x4x224xf32, #tpu.memory_space<hbm>>
        %dma_start3A_53 = arith.constant 0 : i32
        %dma_start3A_54 = tpu.memref_slice %arg4[%select_n3A, %mul3A_32, %mul3A_50, %dma_start3A_53] : memref<2x1024x224x224xf32, #tpu.memory_space<hbm>> -> memref<1x64x4x224xf32, #tpu.memory_space<hbm>>
        %dma_start3A_55 = tpu.memref_squeeze %dma_start3A_54 : memref<1x64x4x224xf32, #tpu.memory_space<hbm>> -> memref<64x4x224xf32, #tpu.memory_space<hbm>>
        tpu.enqueue_dma source(%arg7 : memref<64x4x224xf32, #tpu.memory_space<vmem>>) target(%dma_start3A_55 : memref<64x4x224xf32, #tpu.memory_space<hbm>>) target_semaphore(%run_scoped3A : memref<!tpu.dma_semaphore, #tpu.memory_space<semaphore_mem>>)
        %dma_wait3A = arith.constant 0 : i32
        %dma_wait3A_56 = tpu.memref_slice %arg4[%select_n3A, %mul3A_32, %mul3A_50, %dma_wait3A] : memref<2x1024x224x224xf32, #tpu.memory_space<hbm>> -> memref<1x64x4x224xf32, #tpu.memory_space<hbm>>
        %dma_wait3A_57 = tpu.memref_squeeze %dma_wait3A_56 : memref<1x64x4x224xf32, #tpu.memory_space<hbm>> -> memref<64x4x224xf32, #tpu.memory_space<hbm>>
        %dma_wait3A_58 = arith.constant 0 : i32
        %dma_wait3A_59 = tpu.memref_slice %arg4[%select_n3A, %mul3A_32, %mul3A_50, %dma_wait3A_58] : memref<2x1024x224x224xf32, #tpu.memory_space<hbm>> -> memref<1x64x4x224xf32, #tpu.memory_space<hbm>>
        %dma_wait3A_60 = tpu.memref_squeeze %dma_wait3A_59 : memref<1x64x4x224xf32, #tpu.memory_space<hbm>> -> memref<64x4x224xf32, #tpu.memory_space<hbm>>
        tpu.wait_dma2 semaphore(%run_scoped3A : memref<!tpu.dma_semaphore, #tpu.memory_space<semaphore_mem>>) src(%arg7 : memref<64x4x224xf32, #tpu.memory_space<vmem>>) dst(%dma_wait3A_60 : memref<64x4x224xf32, #tpu.memory_space<hbm>>)
        tpu.yield
      }) : () -> ()
    }
    %scan3A_39 = arith.constant 56 : i32
    return
  }
}

module attributes {stable_mosaic.version = 14 : i64} {
  func.func @_cls_body(%arg0: i32, %arg1: memref<1x3x50176xf32, #tpu.memory_space<vmem>>, %arg2: memref<19x3xi32, #tpu.memory_space<vmem>>, %arg3: memref<1x1x50176xi32, #tpu.memory_space<vmem>>) attributes {dimension_semantics = [#tpu.dimension_semantics<arbitrary>], iteration_bounds = array<i64: 2>, scalar_prefetch = 0 : i64, scratch_operands = 0 : i64, tpu.core_type = #tpu.core_type<tc>, window_params = [{transform_indices = @transform_0, window_bounds = array<i64: 1, 3, 50176>}, {pipeline_mode = #tpu.pipeline_mode<synchronous>, transform_indices = @transform_1, window_bounds = array<i64: 19, 3>}, {transform_indices = @transform_2, window_bounds = array<i64: 1, 1, 50176>}]} {
    %get3A = arith.constant 0 : index
    %get3A_0 = arith.constant 0 : index
    %get3A_1 = arith.constant 0 : index
    %get3A_2 = vector.load %arg1[%get3A, %get3A_0, %get3A_1] : memref<1x3x50176xf32, #tpu.memory_space<vmem>>, vector<1x3x50176xf32>
    %get3A_3 = vector.shape_cast %get3A_2 : vector<1x3x50176xf32> to vector<3x50176xf32>
    %mul3A = arith.constant 1.275000e+02 : f32
    %mul3A_4 = vector.broadcast %mul3A : f32 to vector<3x50176xf32>
    %mul3A_5 = arith.mulf %get3A_3, %mul3A_4 : vector<3x50176xf32>
    %add3A = arith.constant 1.275000e+02 : f32
    %add3A_6 = vector.broadcast %add3A : f32 to vector<3x50176xf32>
    %add3A_7 = arith.addf %mul3A_5, %add3A_6 : vector<3x50176xf32>
    %convert_element_type3A = arith.fptosi %add3A_7 : vector<3x50176xf32> to vector<3x50176xi32>
    %slice3A = vector.extract_strided_slice %convert_element_type3A {offsets = [0, 0], sizes = [1, 50176], strides = [1, 1]} : vector<3x50176xi32> to vector<1x50176xi32>
    %get3A_8 = arith.constant 0 : index
    %get3A_9 = arith.constant 0 : index
    %get3A_10 = vector.load %arg2[%get3A_8, %get3A_9] : memref<19x3xi32, #tpu.memory_space<vmem>>, vector<19x1xi32>
    %eq3A = vector.broadcast %slice3A : vector<1x50176xi32> to vector<19x50176xi32>
    %eq3A_11 = vector.broadcast %get3A_10 : vector<19x1xi32> to vector<19x50176xi32>
    %eq3A_12 = arith.cmpi eq, %eq3A, %eq3A_11 : vector<19x50176xi32>
    %slice3A_13 = vector.extract_strided_slice %convert_element_type3A {offsets = [1, 0], sizes = [1, 50176], strides = [1, 1]} : vector<3x50176xi32> to vector<1x50176xi32>
    %get3A_14 = arith.constant 0 : index
    %get3A_15 = arith.constant 1 : index
    %get3A_16 = vector.load %arg2[%get3A_14, %get3A_15] : memref<19x3xi32, #tpu.memory_space<vmem>>, vector<19x1xi32>
    %eq3A_17 = vector.broadcast %slice3A_13 : vector<1x50176xi32> to vector<19x50176xi32>
    %eq3A_18 = vector.broadcast %get3A_16 : vector<19x1xi32> to vector<19x50176xi32>
    %eq3A_19 = arith.cmpi eq, %eq3A_17, %eq3A_18 : vector<19x50176xi32>
    %and3A = arith.andi %eq3A_12, %eq3A_19 : vector<19x50176xi1>
    %slice3A_20 = vector.extract_strided_slice %convert_element_type3A {offsets = [2, 0], sizes = [1, 50176], strides = [1, 1]} : vector<3x50176xi32> to vector<1x50176xi32>
    %get3A_21 = arith.constant 0 : index
    %get3A_22 = arith.constant 2 : index
    %get3A_23 = vector.load %arg2[%get3A_21, %get3A_22] : memref<19x3xi32, #tpu.memory_space<vmem>>, vector<19x1xi32>
    %eq3A_24 = vector.broadcast %slice3A_20 : vector<1x50176xi32> to vector<19x50176xi32>
    %eq3A_25 = vector.broadcast %get3A_23 : vector<19x1xi32> to vector<19x50176xi32>
    %eq3A_26 = arith.cmpi eq, %eq3A_24, %eq3A_25 : vector<19x50176xi32>
    %and3A_27 = arith.andi %and3A, %eq3A_26 : vector<19x50176xi1>
    %iota3A = tpu.iota {dimensions = array<i32: 0>} : vector<19x50176xi32>
    %jit3A = arith.constant 19 : i32
    %broadcast_in_dim3A = vector.broadcast %jit3A : i32 to vector<19x50176xi32>
    %select_n3A = arith.select %and3A_27, %iota3A, %broadcast_in_dim3A : vector<19x50176xi1>, vector<19x50176xi32>
    %reduce_min3A = arith.constant dense<2147483647> : vector<50176xi32>
    %reduce_min3A_28 = vector.multi_reduction <minsi>, %select_n3A, %reduce_min3A [0] : vector<19x50176xi32> to vector<50176xi32>
    %broadcast_in_dim3A_29 = vector.shape_cast %reduce_min3A_28 : vector<50176xi32> to vector<1x50176xi32>
    %swap3A = arith.constant 0 : index
    %swap3A_30 = arith.constant 0 : index
    %swap3A_31 = arith.constant 0 : index
    %swap3A_32 = vector.load %arg3[%swap3A, %swap3A_30, %swap3A_31] : memref<1x1x50176xi32, #tpu.memory_space<vmem>>, vector<1x1x50176xi32>
    %swap3A_33 = vector.shape_cast %swap3A_32 : vector<1x1x50176xi32> to vector<1x50176xi32>
    %swap3A_34 = vector.shape_cast %broadcast_in_dim3A_29 : vector<1x50176xi32> to vector<1x1x50176xi32>
    tpu.vector_store %arg3[%swap3A, %swap3A_30, %swap3A_31], %swap3A_34 {strides = array<i32>} : memref<1x1x50176xi32, #tpu.memory_space<vmem>>, vector<1x1x50176xi32>,
    return
  }
  func.func @transform_0(%arg0: i32) -> (i32, i32, i32) {
    %c0_i32 = arith.constant 0 : i32
    %c0_i32_0 = arith.constant 0 : i32
    %c0_i32_1 = arith.constant 0 : i32
    return %arg0, %c0_i32, %c0_i32_0 : i32, i32, i32
  }
  func.func @transform_1(%arg0: i32) -> (i32, i32) {
    %c0_i32 = arith.constant 0 : i32
    %c0_i32_0 = arith.constant 0 : i32
    %c0_i32_1 = arith.constant 0 : i32
    return %c0_i32, %c0_i32_0 : i32, i32
  }
  func.func @transform_2(%arg0: i32) -> (i32, i32, i32) {
    %c0_i32 = arith.constant 0 : i32
    %c0_i32_0 = arith.constant 0 : i32
    %c0_i32_1 = arith.constant 0 : i32
    return %arg0, %c0_i32, %c0_i32_0 : i32, i32, i32
  }
}

</mosaic_0001>

<sc_bundles>
// kernel: kernel.4.cloned.1.call-start
scs
__scs_entry_jumppad:
0x0: {  	(pc) =	sbr.rel $0x88, $3  }
0x1: {  	(tag) =	ssettag $0x0;
	lr =	simm.s32 $0x1  }
0x2: {  	[smem:$0x3F9E] =	sst lr;
	_ =	strace $0xD0000000  }
0x3: {  	_ = 	snop  }
0x4: {  	_ = 	snop  }
0x5: {  	_ = 	snop  }
0x6: {  	_ = 	snop  }
0x7: {  	_ = 	snop  }
__scs_overlays_trampoline_lowered:
0x8: {  	[smem:$0x3FAD] =	sst s0  }
0x9: {  	[smem:$0x3FAE] =	sst s1  }
0xa: {  	[smem:$0x3FAF] =	sst s2  }
0xb: {  	[smem:$0x3FB0] =	sst s3  }
0xc: {  	[smem:$0x3FB1] =	sst s4  }
0xd: {  	[smem:$0x3FB2] =	sst s5  }
0xe: {  	[smem:$0x3FB3] =	sst s6  }
0xf: {  	[smem:$0x3FB4] =	sst s7  }
0x10: {  	[smem:$0x3FB5] =	sst s8  }
0x11: {  	[smem:$0x3FB6] =	sst s9;
	s0 =	simm.s32 @!p0 $0x0  }
0x12: {  	s1 =	sld [smem:$0x3F9C];
	s0 =	simm.s32 @p0 $0x1  }
0x13: {  	[smem:$0x3FB7] =	sst s0;
	s0 =	simm.s32 @!p1 $0x0  }
0x14: {  	s2 =	sld [smem:$0x3F9B];
	s0 =	simm.s32 @p1 $0x1  }
0x15: {  	[smem:$0x3FB8] =	sst s0;
	s0 =	simm.s32 @!p2 $0x0  }
0x16: {  	s3 =	sld [smem:$0x3FDB];
	s0 =	simm.s32 @p2 $0x1  }
0x17: {  	s4 =	simm.s32 $0x1BF5;
	[smem:$0x3FBA] =	sst s0  }
0x18: {  	s0 =	sld [smem:$0x3F9D];
	_ =	swait.ge [sflag:s4], $0x0  }
0x19: {  	s7 =	sld [smem:$0x3F9E]  }
0x1a: {  	s8 =	sadd.s32 $0xFFFFE003, lr  }
0x1b: {  	s9 =	sadd.s32 $0xFFFFFEF7, lr;
	s5 =	simm.s32 $0xFFFFFFFF;
	p2 =	slt.u32 s8, $0xFFFFF086  }
0x1c: {  	p1 =	slt.u32 s9, $0xF7A;
	s5 =	simm.s32 @!p2 $0x0  }
0x1d: {  	s5 =	simm.s32 @p1 $0x1;
	p0 =	seq.s32 s7, s2  }
0x1e: {  	s7 =	smul.u32 @!p0 $0xF7A, s2;
	p2 =	seq.s32 @!p0 s5, $0x0  }
0x1f: {  	s9 =	smul.u32 $0xF7A, s1;
	s8 =	simm.s32 @!p0 $0x1BF5;
	p2 =	por !p2, p0  }
0x20: {  	[sflag:s8] =	ssyncset.s32 @!p0 $0xFFFFF086;
	s6 =	sadd.s32 @!p0 s3, s7;
	s7 =	simm.s32 @!p0 $0x108  }
0x21: {  	s3 =	sadd.s32 s3, s9;
	s6 =	sadd.s32 @!p0 $0x88, s6;
	s7 =	simm.s32 @p2 $0x1082  }
0x22: {  	[simem:s7], [sflag:s8] =	dma.local @!p0 [hbm:s6], $0xF7A  }
0x23: {  	s9 =	sor.u32 $0xD0000000, s2;
	s6 =	simm.s32 $0x108;
	_ =	swait.ge @!p0 [sflag:s8], $0x0  }
0x24: {  	s3 =	sadd.s32 $0x88, s3;
	s6 =	simm.s32 @!p1 $0x1082;
	[sflag:s4] =	ssyncset.s32 $0xFFFFF086  }
0x25: {  	[simem:s6], [sflag:s4] =	dma.local [hbm:s3], $0xF7A  }
0x26: {  	[smem:$0x3F9E] =	sst s1;
	(tag) =	ssettag s2;
	_ =	strace s9  }
0x27: {  	s1 =	sld [smem:$0x3FAE]  }
0x28: {  	s2 =	sld [smem:$0x3FAF]  }
0x29: {  	s4 =	sld [smem:$0x3FB1]  }
0x2a: {  	p0 =	seq.s32 s5, $0x0;
	s5 =	sld [smem:$0x3FB2]  }
0x2b: {  	s6 =	sld [smem:$0x3FB3]  }
0x2c: {  	s7 =	sld [smem:$0x3FB4]  }
0x2d: {  	s3 =	simm.s32 $0x108;
	s8 =	sld [smem:$0x3FB5]  }
0x2e: {  	s3 =	simm.s32 @!p0 $0x1082;
	s9 =	sld [smem:$0x3FB6]  }
0x2f: {  	lr =	sadd.s32 s0, s3;
	s0 =	sld [smem:$0x3FAD]  }
0x30: {  	s3 =	sld [smem:$0x3FB0]  }
0x31: {  	[smem:$0x3FB9] =	sst s10  }
0x32: {  	s10 =	sld [smem:$0x3FB7];
	_ =	sdelay $0x3  }
0x33: {  	p0 =	seq.s32 s10, $0x1;
	s10 =	sld [smem:$0x3FB9];
	_ =	sdelay $0x3  }
0x34: {  	[smem:$0x3FB9] =	sst s10  }
0x35: {  	s10 =	sld [smem:$0x3FB8];
	_ =	sdelay $0x3  }
0x36: {  	p1 =	seq.s32 s10, $0x1;
	s10 =	sld [smem:$0x3FB9];
	_ =	sdelay $0x3  }
0x37: {  	[smem:$0x3FB9] =	sst s10  }
0x38: {  	s10 =	sld [smem:$0x3FBA]  }
0x39: {  	_ = 	snop;
	(pc) =	sbr.ind lr, $3  }
0x3a: {  	_ = 	snop  }
0x3b: {  	_ = 	snop  }
0x3c: {  	p2 =	seq.s32 s10, $0x1;
	s10 =	sld [smem:$0x3FB9]  }
0x3d: {  	_ =	shalt  }
0x3e: {  	_ =	shalt  }
0x3f: {  	_ =	shalt  }
0x40: {  	_ =	shalt  }
0x41: {  	_ =	shalt  }
0x42: {  	_ =	shalt  }
0x43: {  	_ =	shalt  }
0x44: {  	_ =	shalt  }
0x45: {  	_ =	shalt  }
0x46: {  	_ =	shalt  }
0x47: {  	_ =	shalt  }
0x48: {  	_ =	shalt  }
0x49: {  	_ =	shalt  }
0x4a: {  	_ =	shalt  }
0x4b: {  	_ =	shalt  }
0x4c: {  	_ =	shalt  }
0x4d: {  	_ =	shalt  }
0x4e: {  	_ =	shalt  }
0x4f: {  	_ =	shalt  }
0x50: {  	_ =	shalt  }
0x51: {  	_ =	shalt  }
0x52: {  	_ =	shalt  }
0x53: {  	_ =	shalt  }
0x54: {  	_ =	shalt  }
0x55: {  	_ =	shalt  }
0x56: {  	_ =	shalt  }
0x57: {  	_ =	shalt  }
0x58: {  	_ =	shalt  }
0x59: {  	_ =	shalt  }
0x5a: {  	_ =	shalt  }
0x5b: {  	_ =	shalt  }
0x5c: {  	_ =	shalt  }
0x5d: {  	_ =	shalt  }
0x5e: {  	_ =	shalt  }
0x5f: {  	_ =	shalt  }
0x60: {  	_ =	shalt  }
0x61: {  	_ =	shalt  }
0x62: {  	_ =	shalt  }
0x63: {  	_ =	shalt  }
0x64: {  	_ =	shalt  }
0x65: {  	_ =	shalt  }
0x66: {  	_ =	shalt  }
0x67: {  	_ =	shalt  }
0x68: {  	_ =	shalt  }
0x69: {  	_ =	shalt  }
0x6a: {  	_ =	shalt  }
0x6b: {  	_ =	shalt  }
0x6c: {  	_ =	shalt  }
0x6d: {  	_ =	shalt  }
0x6e: {  	_ =	shalt  }
0x6f: {  	_ =	shalt  }
0x70: {  	_ =	shalt  }
0x71: {  	_ =	shalt  }
0x72: {  	_ =	shalt  }
0x73: {  	_ =	shalt  }
0x74: {  	_ =	shalt  }
0x75: {  	_ =	shalt  }
0x76: {  	_ =	shalt  }
0x77: {  	_ =	shalt  }
0x78: {  	_ =	shalt  }
0x79: {  	_ =	shalt  }
0x7a: {  	_ =	shalt  }
0x7b: {  	_ =	shalt  }
0x7c: {  	_ =	shalt  }
0x7d: {  	_ =	shalt  }
0x7e: {  	_ =	shalt  }
0x7f: {  	_ =	shalt  }
0x80: {  	_ =	shalt  }
0x81: {  	_ =	shalt  }
0x82: {  	_ =	shalt  }
0x83: {  	_ =	shalt  }
0x84: {  	_ =	shalt  }
0x85: {  	_ =	shalt  }
0x86: {  	_ =	shalt  }
0x87: {  	_ =	shalt  }
.Lfunc_end0:
.L_simem_size_0:
called_computation_lowered:
.L_overlay_start_0:
0x88: {  	s2 =	sld [smem:$0x3FD9]  }
0x89: {  	s3 =	sld [smem:$0x3FFE];
	_ =	sdelay $0x1  }
0x8a: {  	s1 =	srdreg.scid  }
0x8b: {  	s0 =	sand.u32 $0x1, s1  }
0x8c: {  	s17 =	sshll.u32 s0, $0xA;
	s2 =	sadd.s32 s3, s2  }
0x8d: {  	s2 =	sadd.s32 s2, s17  }
0x8e: {  	[smem:$0x3FC5] =	sst s2  }
0x8f: {  	_ = 	snop  }
0x90: {  	s2 =	sld [smem:$0x3FD0];
	(tm) =	ssettm $0x1  }
0x91: {  	s18 =	sld [smem:$0x3FFB];
	_ =	sdelay $0x3  }
0x92: {  	_ =	strace s18  }
0x93: {  	s3 =	sld [smem:$0x3FFC];
	_ =	sdelay $0x3  }
0x94: {  	_ =	strace s3  }
0x95: {  	s3 =	sld [smem:$0x3FFD];
	_ =	sdelay $0x3  }
0x96: {  	_ =	strace s3  }
0x97: {  	_ =	strace $0x8FFFFFFF  }
0x98: {  	s19 =	sld [smem:$0x3FDB];
	_ =	sdelay $0x1  }
0x99: {  	s4 =	simm.s32 $_scs_section_size  }
0x9a: {  	s5 =	simm.s32 $_size__tile_overlayer_lowered;
	s6 =	simm.s32 $_tile_overlayer_lowered  }
0x9b: {  	s22 =	simm.s32 $0x1BFF;
	s21 =	sshll.u32 s6, $0x1;
	s3 =	sadd.s32 s4, s19  }
0x9c: {  	s7 =	simm.s32 $0x0;
	s20 =	sshll.u32 s5, $0x1;
	s5 =	sadd.s32 s21, s3  }
0x9d: {  	[timem:s7], [sflag:s22] =	dma.local [hbm:s5], s20  }
0x9e: {  	_ =	swait.ge [sflag:s22], s20  }
0x9f: {  	s4 =	ssub.s32 $0x0, s20;
	[sflag:s22] =	ssyncset.done $0x0  }
0xa0: {  	[sflag:s22] =	ssyncadd.s32 s4;
	_ =	sdelay $0x1  }
0xa1: {  	s23 =	simm.s32 $0x1B8B  }
0xa2: {  	_ =	swait.ge [sflag:s23], $0x1  }
0xa3: {  	[sflag:s23] =	ssyncset.done $0x0  }
0xa4: {  	s25 =	simm.s32 $0x1B8E;
	s24 =	sld [smem:$0x3FFE];
	[sflag:s23] =	ssyncadd.s32 $0xFFFFFFFF  }
0xa5: {  	s26 =	simm.s32 $execute0_lowered;
	[smem:$0x3FD2] =	sst s25  }
0xa6: {  	s5 =	sshll.u32 s26, $0x1;
	_ =	strace $0x80000046;
	[dreg:$0x1] =	wrdreg $0xFFFFFFFF  }
0xa7: {  	s28 =	simm.s32 $_size_execute0_lowered;
	s3 =	sadd.s32 s3, s5;
	[dreg:$0x0] =	wrdreg $0x0  }
0xa8: {  	s5 =	sshll.u32 s28, $0x1;
	[dreg:$0x2] =	wrdreg s3  }
0xa9: {  	[dreg:$0x3] =	wrdreg s5  }
0xaa: {  	[dreg:$0x4] =	wrdreg $0xC0  }
0xab: {  	_ =	task [dreg:s7], $0x5FFFF  }
0xac: {  	[dreg:$0x1] =	wrdreg $0xFFFFFFFF  }
0xad: {  	[dreg:$0x0] =	wrdreg $0x60  }
0xae: {  	[dreg:$0x2] =	wrdreg s2  }
0xaf: {  	[dreg:$0x3] =	wrdreg s24  }
0xb0: {  	[dreg:$0x4] =	wrdreg $0x9  }
0xb1: {  	_ =	task.clear_ibuf [dreg:s7], $0x5FFFF;
	_ =	strace $0x90000046  }
0xb2: {  	s29 =	simm.s32 $0x9;
	_ =	strace $0x80000048  }
0xb3: {  	_ =	swait.ge [sflag:s29], $0x1  }
0xb4: {  	[sflag:s29] =	ssyncadd.s32 $0xFFFFFFFF  }
0xb5: {  	_ =	strace $0x90000048  }
0xb6: {  	_ =	sfence  }
0xb7: {  	s30 =	sld [smem:$0x0];
	_ =	sdelay $0x2  }
0xb8: {  	s31 =	sshll.u32 s1, $0xD;
	s1 =	sshrl.u32 s1, $0x2  }
0xb9: {  	s3 =	sand.u32 $0x4000, s31;
	s1 =	sadd.s32 s1, s30  }
0xba: {  	s0 =	sor.u32 s3, s0;
	s1 =	sshll.u32 s1, $0x11  }
0xbb: {  	s0 =	sor.u32 s1, s0  }
0xbc: {  	s0 =	sadd.s32 $0x8F2B, s0  }
0xbd: {  	[sflag:s0] =	ssyncadd.remote.s32 $0x1  }
0xbe: {  	_ =	sfence.sel $0xFFFF  }
0xbf: {  	[dreg:$0x0] =	wrdreg $0xFFFFFFFF;
	(pc) =	sbr.abs _section_cstart, $3  }
0xc0: {  	[dreg:$0x1] =	wrdreg $0xFFFFFFFF  }
0xc1: {  	_ =	task.clear_ibuf [dreg:s7], $0x2FFFF;
	_ =	strace $0x9FFFFFFF  }
0xc2: {  	(tm) =	ssettm $0x7FFFFFFF  }
0xc3: {  	_ =	shalt  }
tec
execute0_lowered:
.L_overlay_start_1:
0x0: {  	(tag) =	ssettag $0x1  }
0x1: {  	s0 =	stileid.u32;
	s2 =	rddreg [dreg:$0x0]  }
0x2: {  	s1 =	srdreg.scid;
	s4 =	rddreg [dreg:$0x1]  }
0x3: {  	s12 =	simm.s32 $0x200;
	s13 =	simm.s32 $0x400;
	s14 =	simm.s32 $0x0  }
0x4: {  	s3 =	sshll.u32 s0, $0x1;
	s5 =	sand.u32 $0x1, s1;
	s1 =	rddreg [dreg:$0x2]  }
0x5: {  	s8 =	sshrl.u32 s0, $0x3;
	s6 =	sand.u32 $0xE, s3;
	s3 =	simm.s32 $0x0  }
0x6: {  	s9 =	smul.u32 $0x3800000, s8;
	s6 =	sor.u32 s5, s6;
	[smem:$0x7FF] =	sst s3  }
0x7: {  	s5 =	ssub.s32 $0x2, s5;
	s7 =	smul.u32 $0xA0, s6;
	_ =	strace $0x80000047  }
0x8: {  	s10 =	sshrl.u32 s5, $0x1;
	s11 =	smul.u32 $0x380000, s6;
	s6 =	sshll.u32 s8, $0x7  }
0x9: {  	s10 =	ssub.s32 s5, s10;
	s7 =	sadd.s32 s7, s4;
	s4 =	sadd.s32 $0xE00, s4  }
0xa: {  	s8 =	smax.u32 s10, $0x1;
	s10 =	simm.s32 $0x80;
	s5 =	sadd.s32 $0x400, s7  }
0xb: {  	s7 =	sadd.s32 s9, s11;
	s9 =	simm.s32 $0x1;
	s11 =	simm.s32 $0x100  }
.LBB2_1:
0xc: {  	[tilespmem:s3], [sflag:$0x1] =	stream.linear.gather [hbm4b:s5+s3], $0x500, $0x38;
	[tilespmem:$0x10880] =	vst v63  }
0xd: {  	_ =	swait.ge [sflag:s9], $0x500  }
0xe: {  	[sflag:s9] =	ssyncset.done $0x0  }
0xf: {  	s15 =	simm.s32 $0x0;
	[sflag:s9] =	ssyncadd.s32 $0xFFFFFB00  }
.LBB2_2:
0x10: {  	s16 =	smul.u32 $0x700, s15;
	_ =	sdelay $0x1  }
0x11: {  	s16 =	sor.u32 s6, s16  }
0x12: {  	s16 =	sshrl.u32 s16, $0x3  }
0x13: {  	s17 =	sadd.s32 s2, s16;
	s16 =	simm.s32 $0x500  }
0x14: {  	[tilespmem:s16], [sflag:$0x1] =	stream.strided.gather [hbm4b:s17+s10], $0x380, s11, s10, $0x38;
	[tilespmem:$0x10880] =	vst v63  }
0x15: {  	_ =	swait.ge [sflag:s9], $0x380  }
0x16: {  	[sflag:s9] =	ssyncset.done $0x0  }
0x17: {  	s17 =	simm.s32 $0x0;
	[sflag:s9] =	ssyncadd.s32 $0xFFFFFC80  }
.LBB2_3:
0x18: {  	v0 =	vld [tilespmem:s16+$0x0];
	s18 =	sand.u32 $0xFE, s17  }
0x19: {  	s18 =	sshrl.u32 s18, $0x1  }
0x1a: {  	s18 =	smul.u32 $0x93, s18;
	_ =	sdelay $0x1  }
0x1b: {  	s19 =	sshrl.u32 s18, $0xA  }
0x1c: {  	s19 =	smul.u32 $0xE, s19;
	_ =	sdelay $0x1  }
0x1d: {  	s19 =	ssub.s32 s17, s19  }
0x1e: {  	s20 =	sshrl.u32 s18, $0x2;
	v1 =	vld.idx.msk [tilespmem:v0+s3+$0x0], $0xffff;
	s21 =	sshll.u32 s19, $0x6  }
0x1f: {  	s18 =	sshrl.u32 s18, $0x3;
	s20 =	sand.u32 $0x400, s20;
	v2 =	vadd.s32 $0x14, v0;
	s21 =	sand.u32 $0x200, s21  }
0x20: {  	s18 =	sand.u32 $0x180, s18;
	s19 =	sshll.u32 s19, $0x4;
	s20 =	sor.u32 s21, s20  }
0x21: {  	s19 =	sand.u32 $0x70, s19;
	s18 =	sor.u32 s18, s20  }
0x22: {  	s18 =	sor.u32 s19, s18  }
0x23: {  	[tilespmem:s18+$0x880] =	vst v1  }
0x24: {  	v1 =	vld.idx.msk [tilespmem:v2+s3+$0x0], $0xffff  }
0x25: {  	v63 =	vadd.s32 $0x28, v0;
	_ =	sdelay $0x3  }
0x26: {  	[tilespmem:s18+$0xC80] =	vst v1  }
0x27: {  	v1 =	vld.idx.msk [tilespmem:v63+s3+$0x0], $0xffff  }
0x28: {  	v4 =	vadd.s32 $0x3C, v0;
	_ =	sdelay $0x3  }
0x29: {  	[tilespmem:s18+$0x1080] =	vst v1  }
0x2a: {  	v1 =	vld.idx.msk [tilespmem:v4+s3+$0x0], $0xffff  }
0x2b: {  	v5 =	vadd.s32 $0x50, v0;
	_ =	sdelay $0x3  }
0x2c: {  	[tilespmem:s18+$0x1480] =	vst v1  }
0x2d: {  	v1 =	vld.idx.msk [tilespmem:v5+s3+$0x0], $0xffff  }
0x2e: {  	v6 =	vadd.s32 $0x64, v0;
	_ =	sdelay $0x3  }
0x2f: {  	[tilespmem:s18+$0x1880] =	vst v1  }
0x30: {  	v1 =	vld.idx.msk [tilespmem:v6+s3+$0x0], $0xffff  }
0x31: {  	v7 =	vadd.s32 $0x78, v0;
	_ =	sdelay $0x3  }
0x32: {  	[tilespmem:s18+$0x1C80] =	vst v1  }
0x33: {  	v1 =	vld.idx.msk [tilespmem:v7+s3+$0x0], $0xffff  }
0x34: {  	v8 =	vadd.s32 $0x8C, v0;
	_ =	sdelay $0x3  }
0x35: {  	[tilespmem:s18+$0x2080] =	vst v1  }
0x36: {  	v1 =	vld.idx.msk [tilespmem:v8+s3+$0x0], $0xffff  }
0x37: {  	v9 =	vadd.s32 $0xA0, v0;
	_ =	sdelay $0x3  }
0x38: {  	[tilespmem:s18+$0x2480] =	vst v1  }
0x39: {  	v1 =	vld.idx.msk [tilespmem:v9+s3+$0x0], $0xffff  }
0x3a: {  	v10 =	vadd.s32 $0xB4, v0;
	_ =	sdelay $0x3  }
0x3b: {  	[tilespmem:s18+$0x2880] =	vst v1  }
0x3c: {  	v1 =	vld.idx.msk [tilespmem:v10+s3+$0x0], $0xffff  }
0x3d: {  	v11 =	vadd.s32 $0xC8, v0;
	_ =	sdelay $0x3  }
0x3e: {  	[tilespmem:s18+$0x2C80] =	vst v1  }
0x3f: {  	v1 =	vld.idx.msk [tilespmem:v11+s3+$0x0], $0xffff  }
0x40: {  	v12 =	vadd.s32 $0xDC, v0;
	_ =	sdelay $0x3  }
0x41: {  	[tilespmem:s18+$0x3080] =	vst v1  }
0x42: {  	v1 =	vld.idx.msk [tilespmem:v12+s3+$0x0], $0xffff  }
0x43: {  	v13 =	vadd.s32 $0xF0, v0;
	_ =	sdelay $0x3  }
0x44: {  	[tilespmem:s18+$0x3480] =	vst v1  }
0x45: {  	v1 =	vld.idx.msk [tilespmem:v13+s3+$0x0], $0xffff  }
0x46: {  	v14 =	vadd.s32 $0x104, v0;
	_ =	sdelay $0x3  }
0x47: {  	[tilespmem:s18+$0x3880] =	vst v1  }
0x48: {  	v1 =	vld.idx.msk [tilespmem:v14+s3+$0x0], $0xffff  }
0x49: {  	v15 =	vadd.s32 $0x118, v0;
	_ =	sdelay $0x3  }
0x4a: {  	[tilespmem:s18+$0x3C80] =	vst v1  }
0x4b: {  	v1 =	vld.idx.msk [tilespmem:v15+s3+$0x0], $0xffff  }
0x4c: {  	v16 =	vadd.s32 $0x12C, v0;
	_ =	sdelay $0x3  }
0x4d: {  	[tilespmem:s18+$0x4080] =	vst v1  }
0x4e: {  	v1 =	vld.idx.msk [tilespmem:v16+s3+$0x0], $0xffff  }
0x4f: {  	v17 =	vadd.s32 $0x140, v0;
	_ =	sdelay $0x3  }
0x50: {  	[tilespmem:s18+$0x4480] =	vst v1  }
0x51: {  	v1 =	vld.idx.msk [tilespmem:v17+s3+$0x0], $0xffff  }
0x52: {  	v18 =	vadd.s32 $0x154, v0;
	_ =	sdelay $0x3  }
0x53: {  	[tilespmem:s18+$0x4880] =	vst v1  }
0x54: {  	v1 =	vld.idx.msk [tilespmem:v18+s3+$0x0], $0xffff  }
0x55: {  	v19 =	vadd.s32 $0x168, v0;
	_ =	sdelay $0x3  }
0x56: {  	[tilespmem:s18+$0x4C80] =	vst v1  }
0x57: {  	v1 =	vld.idx.msk [tilespmem:v19+s3+$0x0], $0xffff  }
0x58: {  	v20 =	vadd.s32 $0x17C, v0;
	_ =	sdelay $0x3  }
0x59: {  	[tilespmem:s18+$0x5080] =	vst v1  }
0x5a: {  	v1 =	vld.idx.msk [tilespmem:v20+s3+$0x0], $0xffff  }
0x5b: {  	v21 =	vadd.s32 $0x190, v0;
	_ =	sdelay $0x3  }
0x5c: {  	[tilespmem:s18+$0x5480] =	vst v1  }
0x5d: {  	v1 =	vld.idx.msk [tilespmem:v21+s3+$0x0], $0xffff  }
0x5e: {  	v22 =	vadd.s32 $0x1A4, v0;
	_ =	sdelay $0x3  }
0x5f: {  	[tilespmem:s18+$0x5880] =	vst v1  }
0x60: {  	v1 =	vld.idx.msk [tilespmem:v22+s3+$0x0], $0xffff  }
0x61: {  	v23 =	vadd.s32 $0x1B8, v0;
	_ =	sdelay $0x3  }
0x62: {  	[tilespmem:s18+$0x5C80] =	vst v1  }
0x63: {  	v1 =	vld.idx.msk [tilespmem:v23+s3+$0x0], $0xffff  }
0x64: {  	v24 =	vadd.s32 $0x1CC, v0;
	_ =	sdelay $0x3  }
0x65: {  	[tilespmem:s18+$0x6080] =	vst v1  }
0x66: {  	v1 =	vld.idx.msk [tilespmem:v24+s3+$0x0], $0xffff  }
0x67: {  	v25 =	vadd.s32 $0x1E0, v0;
	_ =	sdelay $0x3  }
0x68: {  	[tilespmem:s18+$0x6480] =	vst v1  }
0x69: {  	v1 =	vld.idx.msk [tilespmem:v25+s3+$0x0], $0xffff  }
0x6a: {  	v26 =	vadd.s32 $0x1F4, v0;
	_ =	sdelay $0x3  }
0x6b: {  	[tilespmem:s18+$0x6880] =	vst v1  }
0x6c: {  	v1 =	vld.idx.msk [tilespmem:v26+s3+$0x0], $0xffff  }
0x6d: {  	v27 =	vadd.s32 $0x208, v0;
	_ =	sdelay $0x3  }
0x6e: {  	[tilespmem:s18+$0x6C80] =	vst v1  }
0x6f: {  	v1 =	vld.idx.msk [tilespmem:v27+s3+$0x0], $0xffff  }
0x70: {  	v28 =	vadd.s32 $0x21C, v0;
	_ =	sdelay $0x3  }
0x71: {  	[tilespmem:s18+$0x7080] =	vst v1  }
0x72: {  	v1 =	vld.idx.msk [tilespmem:v28+s3+$0x0], $0xffff  }
0x73: {  	v29 =	vadd.s32 $0x230, v0;
	_ =	sdelay $0x3  }
0x74: {  	[tilespmem:s18+$0x7480] =	vst v1  }
0x75: {  	v1 =	vld.idx.msk [tilespmem:v29+s3+$0x0], $0xffff  }
0x76: {  	v30 =	vadd.s32 $0x244, v0;
	_ =	sdelay $0x3  }
0x77: {  	[tilespmem:s18+$0x7880] =	vst v1  }
0x78: {  	v1 =	vld.idx.msk [tilespmem:v30+s3+$0x0], $0xffff  }
0x79: {  	v31 =	vadd.s32 $0x258, v0;
	_ =	sdelay $0x3  }
0x7a: {  	[tilespmem:s18+$0x7C80] =	vst v1  }
0x7b: {  	v1 =	vld.idx.msk [tilespmem:v31+s3+$0x0], $0xffff  }
0x7c: {  	v32 =	vadd.s32 $0x26C, v0;
	_ =	sdelay $0x3  }
0x7d: {  	[tilespmem:s18+$0x8080] =	vst v1  }
0x7e: {  	v1 =	vld.idx.msk [tilespmem:v32+s3+$0x0], $0xffff  }
0x7f: {  	v33 =	vadd.s32 $0x280, v0;
	_ =	sdelay $0x3  }
0x80: {  	[tilespmem:s18+$0x8480] =	vst v1  }
0x81: {  	v1 =	vld.idx.msk [tilespmem:v33+s3+$0x0], $0xffff  }
0x82: {  	v34 =	vadd.s32 $0x294, v0;
	_ =	sdelay $0x3  }
0x83: {  	[tilespmem:s18+$0x8880] =	vst v1  }
0x84: {  	v1 =	vld.idx.msk [tilespmem:v34+s3+$0x0], $0xffff  }
0x85: {  	v35 =	vadd.s32 $0x2A8, v0;
	_ =	sdelay $0x3  }
0x86: {  	[tilespmem:s18+$0x8C80] =	vst v1  }
0x87: {  	v1 =	vld.idx.msk [tilespmem:v35+s3+$0x0], $0xffff  }
0x88: {  	v36 =	vadd.s32 $0x2BC, v0;
	_ =	sdelay $0x3  }
0x89: {  	[tilespmem:s18+$0x9080] =	vst v1  }
0x8a: {  	v1 =	vld.idx.msk [tilespmem:v36+s3+$0x0], $0xffff  }
0x8b: {  	v37 =	vadd.s32 $0x2D0, v0;
	_ =	sdelay $0x3  }
0x8c: {  	[tilespmem:s18+$0x9480] =	vst v1  }
0x8d: {  	v1 =	vld.idx.msk [tilespmem:v37+s3+$0x0], $0xffff  }
0x8e: {  	v38 =	vadd.s32 $0x2E4, v0;
	_ =	sdelay $0x3  }
0x8f: {  	[tilespmem:s18+$0x9880] =	vst v1  }
0x90: {  	v1 =	vld.idx.msk [tilespmem:v38+s3+$0x0], $0xffff  }
0x91: {  	v39 =	vadd.s32 $0x2F8, v0;
	_ =	sdelay $0x3  }
0x92: {  	[tilespmem:s18+$0x9C80] =	vst v1  }
0x93: {  	v1 =	vld.idx.msk [tilespmem:v39+s3+$0x0], $0xffff  }
0x94: {  	v40 =	vadd.s32 $0x30C, v0;
	_ =	sdelay $0x3  }
0x95: {  	[tilespmem:s18+$0xA080] =	vst v1  }
0x96: {  	v1 =	vld.idx.msk [tilespmem:v40+s3+$0x0], $0xffff  }
0x97: {  	v41 =	vadd.s32 $0x320, v0;
	_ =	sdelay $0x3  }
0x98: {  	[tilespmem:s18+$0xA480] =	vst v1  }
0x99: {  	v1 =	vld.idx.msk [tilespmem:v41+s3+$0x0], $0xffff  }
0x9a: {  	v42 =	vadd.s32 $0x334, v0;
	_ =	sdelay $0x3  }
0x9b: {  	[tilespmem:s18+$0xA880] =	vst v1  }
0x9c: {  	v1 =	vld.idx.msk [tilespmem:v42+s3+$0x0], $0xffff  }
0x9d: {  	v43 =	vadd.s32 $0x348, v0;
	_ =	sdelay $0x3  }
0x9e: {  	[tilespmem:s18+$0xAC80] =	vst v1  }
0x9f: {  	v1 =	vld.idx.msk [tilespmem:v43+s3+$0x0], $0xffff  }
0xa0: {  	v44 =	vadd.s32 $0x35C, v0;
	_ =	sdelay $0x3  }
0xa1: {  	[tilespmem:s18+$0xB080] =	vst v1  }
0xa2: {  	v1 =	vld.idx.msk [tilespmem:v44+s3+$0x0], $0xffff  }
0xa3: {  	v45 =	vadd.s32 $0x370, v0;
	_ =	sdelay $0x3  }
0xa4: {  	[tilespmem:s18+$0xB480] =	vst v1  }
0xa5: {  	v1 =	vld.idx.msk [tilespmem:v45+s3+$0x0], $0xffff  }
0xa6: {  	v46 =	vadd.s32 $0x384, v0;
	_ =	sdelay $0x3  }
0xa7: {  	[tilespmem:s18+$0xB880] =	vst v1  }
0xa8: {  	v1 =	vld.idx.msk [tilespmem:v46+s3+$0x0], $0xffff  }
0xa9: {  	v47 =	vadd.s32 $0x398, v0;
	_ =	sdelay $0x3  }
0xaa: {  	[tilespmem:s18+$0xBC80] =	vst v1  }
0xab: {  	v1 =	vld.idx.msk [tilespmem:v47+s3+$0x0], $0xffff  }
0xac: {  	v48 =	vadd.s32 $0x3AC, v0;
	_ =	sdelay $0x3  }
0xad: {  	[tilespmem:s18+$0xC080] =	vst v1  }
0xae: {  	v1 =	vld.idx.msk [tilespmem:v48+s3+$0x0], $0xffff  }
0xaf: {  	v49 =	vadd.s32 $0x3C0, v0;
	_ =	sdelay $0x3  }
0xb0: {  	[tilespmem:s18+$0xC480] =	vst v1  }
0xb1: {  	v1 =	vld.idx.msk [tilespmem:v49+s3+$0x0], $0xffff  }
0xb2: {  	v50 =	vadd.s32 $0x3D4, v0;
	_ =	sdelay $0x3  }
0xb3: {  	[tilespmem:s18+$0xC880] =	vst v1  }
0xb4: {  	v1 =	vld.idx.msk [tilespmem:v50+s3+$0x0], $0xffff  }
0xb5: {  	v51 =	vadd.s32 $0x3E8, v0;
	_ =	sdelay $0x3  }
0xb6: {  	[tilespmem:s18+$0xCC80] =	vst v1  }
0xb7: {  	v1 =	vld.idx.msk [tilespmem:v51+s3+$0x0], $0xffff  }
0xb8: {  	v52 =	vadd.s32 $0x3FC, v0;
	_ =	sdelay $0x3  }
0xb9: {  	[tilespmem:s18+$0xD080] =	vst v1  }
0xba: {  	v1 =	vld.idx.msk [tilespmem:v52+s3+$0x0], $0xffff  }
0xbb: {  	v53 =	vadd.s32 $0x410, v0;
	_ =	sdelay $0x3  }
0xbc: {  	[tilespmem:s18+$0xD480] =	vst v1  }
0xbd: {  	v1 =	vld.idx.msk [tilespmem:v53+s3+$0x0], $0xffff  }
0xbe: {  	v54 =	vadd.s32 $0x424, v0;
	_ =	sdelay $0x3  }
0xbf: {  	[tilespmem:s18+$0xD880] =	vst v1  }
0xc0: {  	v1 =	vld.idx.msk [tilespmem:v54+s3+$0x0], $0xffff  }
0xc1: {  	v55 =	vadd.s32 $0x438, v0;
	_ =	sdelay $0x3  }
0xc2: {  	[tilespmem:s18+$0xDC80] =	vst v1  }
0xc3: {  	v1 =	vld.idx.msk [tilespmem:v55+s3+$0x0], $0xffff  }
0xc4: {  	v56 =	vadd.s32 $0x44C, v0;
	_ =	sdelay $0x3  }
0xc5: {  	[tilespmem:s18+$0xE080] =	vst v1  }
0xc6: {  	v1 =	vld.idx.msk [tilespmem:v56+s3+$0x0], $0xffff  }
0xc7: {  	v57 =	vadd.s32 $0x460, v0;
	_ =	sdelay $0x3  }
0xc8: {  	[tilespmem:s18+$0xE480] =	vst v1  }
0xc9: {  	v1 =	vld.idx.msk [tilespmem:v57+s3+$0x0], $0xffff  }
0xca: {  	v58 =	vadd.s32 $0x474, v0;
	_ =	sdelay $0x3  }
0xcb: {  	[tilespmem:s18+$0xE880] =	vst v1  }
0xcc: {  	v1 =	vld.idx.msk [tilespmem:v58+s3+$0x0], $0xffff  }
0xcd: {  	v59 =	vadd.s32 $0x488, v0;
	_ =	sdelay $0x3  }
0xce: {  	[tilespmem:s18+$0xEC80] =	vst v1  }
0xcf: {  	v1 =	vld.idx.msk [tilespmem:v59+s3+$0x0], $0xffff  }
0xd0: {  	v60 =	vadd.s32 $0x49C, v0;
	_ =	sdelay $0x3  }
0xd1: {  	[tilespmem:s18+$0xF080] =	vst v1  }
0xd2: {  	v1 =	vld.idx.msk [tilespmem:v60+s3+$0x0], $0xffff  }
0xd3: {  	v61 =	vadd.s32 $0x4B0, v0;
	_ =	sdelay $0x3  }
0xd4: {  	[tilespmem:s18+$0xF480] =	vst v1  }
0xd5: {  	v1 =	vld.idx.msk [tilespmem:v61+s3+$0x0], $0xffff  }
0xd6: {  	v62 =	vadd.s32 $0x4C4, v0;
	_ =	sdelay $0x3  }
0xd7: {  	[tilespmem:s18+$0xF880] =	vst v1  }
0xd8: {  	v1 =	vld.idx.msk [tilespmem:v62+s3+$0x0], $0xffff  }
0xd9: {  	v63 =	vadd.s32 $0x4D8, v0;
	_ =	sdelay $0x3  }
0xda: {  	[tilespmem:s18+$0xFC80] =	vst v1  }
0xdb: {  	v1 =	vld.idx.msk [tilespmem:v63+s3+$0x0], $0xffff  }
0xdc: {  	v0 =	vadd.s32 $0x4EC, v0;
	_ =	sdelay $0x3  }
0xdd: {  	[tilespmem:s18+$0x10080] =	vst v1  }
0xde: {  	p0 =	sne.s32 s17, $0x37;
	v0 =	vld.idx.msk [tilespmem:v0+s3+$0x0], $0xffff  }
.Ltmp0:
0xdf: {  	_ = 	snop;
	(pc) =	sbr.rel @p0 .LBB2_3-.Ltmp0, $2  }
0xe0: {  	_ =	sdelay $0x2  }
0xe1: {  	s16 =	sadd.s32 $0x10, s16;
	s17 =	sadd.s32 $0x1, s17;
	[tilespmem:s18+$0x10480] =	vst v0  }
0xe2: {  	s16 =	sshll.u32 s15, $0xA  }
0xe3: {  	s17 =	sshll.u32 s15, $0x9;
	s16 =	sand.u32 $0xF800, s16  }
0xe4: {  	s17 =	sand.u32 $0x200, s17;
	s16 =	sor.u32 s7, s16  }
0xe5: {  	s16 =	sor.u32 s17, s16  }
0xe6: {  	s16 =	sshrl.u32 s16, $0x3  }
0xe7: {  	s31 =	simm.s32 $0x880;
	s17 =	simm.s32 $0x1000;
	s16 =	sadd.s32 s4, s16  }
0xe8: {  	[hbm4b:s16+s12] =	stream.strided.scatter [tilespmem:s31], [sflag:$0x1], $0x400, s13, s12, $0x38;
	[tilespmem:$0x10880] =	vst v63  }
.LBB2_5:
0xe9: {  	p0 =	sne.s32 s17, $0x3F000  }
.Ltmp1:
0xea: {  	_ = 	snop;
	(pc) =	sbr.rel @p0 .LBB2_5-.Ltmp1, $4  }
0xeb: {  	_ = 	snop  }
0xec: {  	s18 =	sshra.s32 s17, $0x2;
	s17 =	sadd.s32 $0x1000, s17  }
0xed: {  	s16 =	sadd.s32 $0x1C00, s16;
	s18 =	sadd.s32 $0x880, s18  }
0xee: {  	[hbm4b:s16+s12] =	stream.strided.scatter [tilespmem:s18], [sflag:$0x1], $0x400, s13, s12, $0x38;
	[tilespmem:$0x10880] =	vst v63  }
0xef: {  	s15 =	sadd.s32 $0x1, s15  }
0xf0: {  	p0 =	sne.s32 s15, $0x38  }
.Ltmp2:
0xf1: {  	_ = 	snop;
	(pc) =	sbr.rel @p0 .LBB2_2-.Ltmp2, $4  }
0xf2: {  	_ = 	snop  }
0xf3: {  	_ =	swait.ge [sflag:s9], $0x10000  }
0xf4: {  	[sflag:s9] =	ssyncset.done $0x0  }
0xf5: {  	[sflag:s9] =	ssyncadd.s32 $0xFFFF0000  }
0xf6: {  	s14 =	sadd.s32 $0x1, s14  }
0xf7: {  	p0 =	sne.s32 s14, s8  }
.Ltmp3:
0xf8: {  	_ = 	snop;
	(pc) =	sbr.rel @p0 .LBB2_1-.Ltmp3, $1  }
0xf9: {  	_ =	sdelay $0x3  }
0xfa: {  	_ =	sfence.sel $0x180000  }
0xfb: {  	[bflag:$0x0] =	sbarrier.arrive $0xFFFF  }
0xfc: {  	p0 =	sne.s32 s0, $0x0;
	_ =	strace $0x90000047  }
0xfd: {  	s0 =	sadd.s32 @!p0 $0x100000, s1;
	[bflag:$0x2] =	sbarrier.arrive $0xFFFF  }
0xfe: {  	[sflag:s0] =	ssyncadd.tile.s32 @!p0 $0x1;
	_ =	shalt  }
.Lfunc_end2:
_tile_overlayer_lowered:
.L_overlay_start_2:
0xff: {  	(tag) =	ssettag $0x2  }
0x100: {  	s0 =	rddreg [dreg:$0x0];
	s2 =	stileid.u32  }
0x101: {  	s1 =	rddreg [dreg:$0x1];
	p0 =	sne.s32 s2, $0x0  }
0x102: {  	s3 =	rddreg [dreg:$0x2];
	[bflag:$0x3] =	sbarrier.arrive $0xFFFF;
	s2 =	simm.s32 @!p0 $0x1C01  }
0x103: {  	[timem:s3], [sflag:s2] =	dma.local @!p0 [hbm:s0], s1  }
0x104: {  	s0 =	simm.s32 @!p0 $0x1  }
0x105: {  	_ =	swait.ge @!p0 [sflag:s0], s1  }
0x106: {  	s1 =	ssub.s32 @!p0 $0x0, s1;
	[sflag:s0] =	ssyncset.done @!p0 $0x0  }
0x107: {  	[sflag:s0] =	ssyncadd.s32 @!p0 s1  }
0x108: {  	[bflag:$0x3] =	sbarrier.arrive $0xFFFF  }
0x109: {  	_ =	shalt  }

</sc_bundles>
